<compile_context>
chip_gen: v7x
topology: tpu7x:2x2x1
jax: 0.10.2.dev20260603
libtpu: 0.0.44.dev20260713+nightly
codegen_flags: <defaults>
</compile_context>

<pallas_src>
import functools

import jax
import jax.numpy as jnp
from jax import lax
from jax.experimental import pallas as pl
from jax.experimental.pallas import tpu as pltpu
from jax.experimental.pallas import tpu_sc as plsc

_N_STEPS = 128
_N1 = 64
_PROP = 0.8
_R = 1024
_L = 16
_NW = 32


def _sc_body(pts_hbm, occ_hbm, tmp_hbm, rd_hbm, cam_hbm, out_hbm,
             pts_b, occ_b, tmp_b, rd_b, cam_b, ot_b, cv_b, otq_b, out_b):
    nc = 2
    wid = lax.axis_index("s") * nc + lax.axis_index("c")
    n_sc = pts_hbm.shape[0]
    per_w = n_sc // _NW
    groups = per_w // _L

    i16 = lax.iota(jnp.int32, _L)
    zeros = jnp.zeros((_L,), jnp.int32)
    f32 = jnp.float32

    pltpu.sync_copy(cam_hbm, cam_b)

    def per_group(g, carry):
        base = wid * per_w + g * _L
        pltpu.sync_copy(pts_hbm.at[pl.ds(base, _L), :], pts_b)
        pltpu.sync_copy(occ_hbm.at[pl.ds(base, _L), :], occ_b)
        pltpu.sync_copy(tmp_hbm.at[pl.ds(base, _L), :], tmp_b)
        pltpu.sync_copy(rd_hbm.at[pl.ds(base, _L), :], rd_b)

        pts_last = plsc.load_gather(pts_b, [i16, zeros + (_N_STEPS - 1)])
        cv_b[pl.ds(0, _L)] = (1.0 - _PROP) / pts_last
        cv_b[pl.ds(_L, _L)] = jnp.ones((_L,), f32)

        def per_step(k, c1):
            kk = zeros + k
            cp = cv_b[pl.ds(_L, _L)]
            occv = plsc.load_gather(occ_b, [i16, kk])
            ptsv = plsc.load_gather(pts_b, [i16, kk])
            ov = _PROP * (1.0 - cp) + cv_b[pl.ds(0, _L)] * ptsv
            ot_b[pl.ds(k * _L, _L)] = ov
            cv_b[pl.ds(_L, _L)] = cp * (1.0 - occv)
            return c1

        lax.fori_loop(0, _N_STEPS, per_step, 0, unroll=False)

        def per_query(q, c2_):
            ol = ot_b[pl.ds((_N_STEPS - 1) * _L, _L)]
            tmpv = plsc.load_gather(tmp_b, [i16, zeros + q])
            b0 = q.astype(f32) * (1.0 / _N1)
            b1 = b0 + (1.0 / _N1)
            ts = (tmpv * b0 + (1.0 - tmpv) * b1) * ol
            pos = zeros
            for step in (64, 32, 16, 8, 4, 2, 1):
                v = plsc.load_gather(ot_b, [(pos + (step - 1)) * _L + i16])
                pos = jnp.where(v <= ts, pos + step, pos)
            last_ok = (pos == _N_STEPS - 1) & (ol <= ts)
            inv = jnp.where(last_ok, pos + 1, pos)
            ii = jnp.maximum(inv - 1, 0)
            si = jnp.minimum(inv, _N_STEPS - 1)
            o_inf = jnp.where(inv == 0, -ol,
                              plsc.load_gather(ot_b, [ii * _L + i16]))
            o_sup = jnp.where(inv == _N_STEPS, 2.0 * ol,
                              plsc.load_gather(ot_b, [si * _L + i16]))
            d_inf = plsc.load_gather(pts_b, [i16, ii])
            d_sup = plsc.load_gather(pts_b, [i16, si])
            denom = o_sup - o_inf
            li = denom > 1e-6 * ol
            dist = d_inf + jnp.where(
                li, (ts - o_inf) * (d_sup - d_inf) / jnp.where(li, denom, 1.0),
                0.0)
            rdx = plsc.load_gather(rd_b, [i16, zeros])
            rdy = plsc.load_gather(rd_b, [i16, zeros + 1])
            rdz = plsc.load_gather(rd_b, [i16, zeros + 2])
            q48 = q * (3 * _L)
            otq_b[pl.ds(q48, _L)] = cam_b[0] + dist * rdx
            otq_b[pl.ds(q48 + _L, _L)] = cam_b[1] + dist * rdy
            otq_b[pl.ds(q48 + 2 * _L, _L)] = cam_b[2] + dist * rdz
            return c2_

        lax.fori_loop(0, _N1, per_query, 0, unroll=False)

        def per_row(r, c3_):
            for j in range(12):
                v = plsc.load_gather(otq_b, [256 * j + i16 * _L + r])
                out_b[pl.ds(r * 192 + j * _L, _L)] = v
            return c3_

        lax.fori_loop(0, _L, per_row, 0, unroll=False)
        pltpu.sync_copy(out_b, out_hbm.at[pl.ds(base * 192, _L * 192)])
        return carry

    lax.fori_loop(0, groups, per_group, 0, unroll=False)


def _sc_sample(pts, occ, tmp, rd, cam16, n_out):
    mesh = plsc.VectorSubcoreMesh(core_axis_name="c", subcore_axis_name="s")
    f = functools.partial(
        pl.kernel, mesh=mesh,
        compiler_params=pltpu.CompilerParams(needs_layout_passes=False),
        out_type=jax.ShapeDtypeStruct((n_out * 3 * _N1,), jnp.float32),
        scratch_types=[
            pltpu.VMEM((_L, _N_STEPS), jnp.float32),
            pltpu.VMEM((_L, _N_STEPS), jnp.float32),
            pltpu.VMEM((_L, _N1), jnp.float32),
            pltpu.VMEM((_L, 3), jnp.float32),
            pltpu.VMEM((3, _L), jnp.float32),
            pltpu.VMEM((_N_STEPS * _L,), jnp.float32),
            pltpu.VMEM((2 * _L,), jnp.float32),
            pltpu.VMEM((3 * _N1 * _L,), jnp.float32),
            pltpu.VMEM((3 * _N1 * _L,), jnp.float32),
        ],
    )(_sc_body)
    return f(pts, occ, tmp, rd, cam16)


def _body(cam_ref, pts_ref, occ_ref, rd_ref, tmp_ref, out_ref):
    pts = pts_ref[...]
    occ = occ_ref[...]
    tmp = tmp_ref[...]
    R = pts.shape[0]

    lg = jnp.log(1.0 - occ)
    uk = lax.broadcasted_iota(jnp.int32, (_N_STEPS, _N_STEPS), 0)
    um = lax.broadcasted_iota(jnp.int32, (_N_STEPS, _N_STEPS), 1)
    U = (uk < um).astype(jnp.float32)
    s = lax.dot(lg, U, precision=lax.Precision.HIGHEST,
                preferred_element_type=jnp.float32)
    cpr = jnp.exp(s)
    ptsl = pts[:, _N_STEPS - 1 : _N_STEPS]
    o = _PROP * (1.0 - cpr) + (1.0 - _PROP) * (pts / ptsl)
    o = o / o[:, _N_STEPS - 1 : _N_STEPS]

    jq = lax.broadcasted_iota(jnp.int32, (R, _N1), 1).astype(jnp.float32)
    t = (jq + 1.0) * (1.0 / _N1) - tmp * (1.0 / _N1)

    pos = jnp.zeros((R, _N1), jnp.int32)
    for step in (64, 32, 16, 8, 4, 2, 1):
        v = jnp.take_along_axis(o, pos + (step - 1), axis=1)
        pos = pos + jnp.where(v <= t, step, 0)
    inv = pos + ((pos == _N_STEPS - 1) & (t >= 1.0)).astype(jnp.int32)

    oi_idx = jnp.maximum(inv - 1, 0)
    os_idx = jnp.minimum(inv, _N_STEPS - 1)
    o_inf = jnp.where(inv == 0, -1.0, jnp.take_along_axis(o, oi_idx, axis=1))
    o_sup = jnp.where(inv >= _N_STEPS, 2.0, jnp.take_along_axis(o, os_idx, axis=1))
    d_inf = jnp.take_along_axis(pts, oi_idx, axis=1)
    d_sup = jnp.take_along_axis(pts, os_idx, axis=1)

    denom = o_sup - o_inf
    li = denom > 1e-6
    dist = d_inf + jnp.where(
        li, (t - o_inf) * (d_sup - d_inf) / jnp.where(li, denom, 1.0), 0.0
    )

    m3 = lax.broadcasted_iota(jnp.int32, (R, 3 * _N1), 1)
    c3 = m3 - (m3 // 3) * 3
    dist3 = jnp.take_along_axis(dist, m3 // 3, axis=1)
    rd = rd_ref[...]
    px = cam_ref[0, 0] + dist3 * rd[:, 0:1]
    py = cam_ref[0, 1] + dist3 * rd[:, 1:2]
    pz = cam_ref[0, 2] + dist3 * rd[:, 2:3]
    out_ref[...] = jnp.where(c3 == 0, px, jnp.where(c3 == 1, py, pz))


_SC_RAYS = 1024


def _body_alias(cam_ref, pts_ref, occ_ref, rd_ref, tmp_ref, alias_ref,
                out_ref):
    del alias_ref
    _body(cam_ref, pts_ref, occ_ref, rd_ref, tmp_ref, out_ref)


def kernel(pts_intervals, occ_values, ray_directions, cam_loc, tmp):
    n_rays = pts_intervals.shape[0]
    rd = ray_directions.reshape(n_rays, 3)
    cam16 = jnp.broadcast_to(cam_loc.reshape(3, 1), (3, _L))
    s = _SC_RAYS
    out_sc = _sc_sample(pts_intervals[:s], occ_values[:s], tmp[:s], rd[:s],
                        cam16, n_rays).reshape(n_rays, 3 * _N1)
    off = s // _R
    out = pl.pallas_call(
        _body_alias,
        grid=((n_rays - s) // _R,),
        in_specs=[
            pl.BlockSpec((1, 3), lambda i: (0, 0)),
            pl.BlockSpec((_R, _N_STEPS), lambda i: (i + off, 0)),
            pl.BlockSpec((_R, _N_STEPS), lambda i: (i + off, 0)),
            pl.BlockSpec((_R, 3), lambda i: (i + off, 0)),
            pl.BlockSpec((_R, _N1), lambda i: (i + off, 0)),
            pl.BlockSpec((8, 3 * _N1), lambda i: (0, 0)),
        ],
        out_specs=pl.BlockSpec((_R, 3 * _N1), lambda i: (i + off, 0)),
        out_shape=jax.ShapeDtypeStruct((n_rays, 3 * _N1), jnp.float32),
        input_output_aliases={5: 0},
    )(cam_loc, pts_intervals, occ_values, rd, tmp, out_sc)
    return out.reshape(n_rays, _N1, 3)


def _tc_sample(pts_intervals, occ_values, rd, cam_loc, tmp):
    n_rays = pts_intervals.shape[0]
    out = pl.pallas_call(
        _body,
        grid=(n_rays // _R,),
        in_specs=[
            pl.BlockSpec((1, 3), lambda i: (0, 0)),
            pl.BlockSpec((_R, _N_STEPS), lambda i: (i, 0)),
            pl.BlockSpec((_R, _N_STEPS), lambda i: (i, 0)),
            pl.BlockSpec((_R, 3), lambda i: (i, 0)),
            pl.BlockSpec((_R, _N1), lambda i: (i, 0)),
        ],
        out_specs=pl.BlockSpec((_R, 3 * _N1), lambda i: (i, 0)),
        out_shape=jax.ShapeDtypeStruct((n_rays, 3 * _N1), jnp.float32),
    )(cam_loc, pts_intervals, occ_values, rd, tmp)
    return out

# --- scband reference (transcript-rebuilt; emitter-appended) ---
"""Pipeline reference for scband-ray-tracing-6141803233762 (READ-ONLY COPY).

The authoritative reference and input builder live on the scoring server;
editing this copy changes nothing except your own understanding.
"""

import jax, jax.numpy as jnp
import numpy as np

N_STEPS = 128
N1_VOL = 64
INV_CDF_PROP = 0.8
NP_RAYS = 65536

def setup_inputs(seed: int = 0) -> dict:
    key = jax.random.key(seed)
    k1, k2, k3, k4, k5 = jax.random.split(key, 5)
    pts = jnp.sort(jax.random.uniform(k1, (NP_RAYS, N_STEPS), dtype=jnp.float32), axis=1) * 4.0 + 0.5
    occ = jax.random.uniform(k2, (NP_RAYS, N_STEPS), dtype=jnp.float32) * 0.2
    rd = jax.random.normal(k3, (1, NP_RAYS, 3), dtype=jnp.float32)
    rd = rd / jnp.linalg.norm(rd, axis=-1, keepdims=True)
    cam = jax.random.normal(k4, (1, 3), dtype=jnp.float32)
    tmp = jax.random.uniform(k5, (NP_RAYS, N1_VOL), dtype=jnp.float32)
    return {"pts_intervals": pts, "occ_values": occ, "ray_directions": rd, "cam_loc": cam, "tmp": tmp}

def _volume_sampling_inverse_cdf(pts_intervals, occ_values, ray_directions, cam_loc, tmp):
    Np = occ_values.shape[0]
    cp = jnp.cumprod(1.0 - occ_values, axis=1)
    cp = jnp.roll(cp, 1, axis=1)
    cp = cp.at[:, 0].set(1.0)
    o = 1.0 - cp
    o = INV_CDF_PROP * o + (1.0 - INV_CDF_PROP) * pts_intervals / pts_intervals[:, -1:]
    o = o / o[:, -1:]
    bounds = jnp.linspace(0.0, 1.0, N1_VOL + 1, dtype=pts_intervals.dtype)
    t = tmp * bounds[:-1] + (1.0 - tmp) * bounds[1:]
    inv = jax.vmap(lambda a, v: jnp.searchsorted(a, v, side='right'))(o, t)
    ones = jnp.ones((Np, 1), dtype=pts_intervals.dtype)
    ext_dists = jnp.concatenate([pts_intervals[:, 0:1], pts_intervals, pts_intervals[:, -1:]], axis=-1)
    ext_o = jnp.concatenate([-ones, o, 2.0 * ones], axis=-1)
    o_inf = jnp.take_along_axis(ext_o, inv, axis=1)
    o_sup = jnp.take_along_axis(ext_o, inv + 1, axis=1)
    d_inf = jnp.take_along_axis(ext_dists, inv, axis=1)
    d_sup = jnp.take_along_axis(ext_dists, inv + 1, axis=1)
    denom = o_sup - o_inf
    lin_interp = denom > 1e-06
    safe_denom = jnp.where(lin_interp, denom, 1.0)
    dist = d_inf + jnp.where(lin_interp, (t - o_inf) * (d_sup - d_inf) / safe_denom, 0.0)
    points = cam_loc[None] + dist[:, :, None] * ray_directions[0, :, None, :]
    return points

def reference(pts_intervals, occ_values, ray_directions, cam_loc, tmp):
    return _volume_sampling_inverse_cdf(pts_intervals, occ_values, ray_directions, cam_loc, tmp)

if __name__ == "__main__":
    import jax
    _d = setup_inputs()
    print(jax.jit(kernel)(*tuple(_d.values())))

</pallas_src>

<mosaic_0001>
#map = affine_map<(d0, d1) -> (0, 0)>
#map1 = affine_map<(d0, d1) -> (0)>
module attributes {stable_mosaic.version = 14 : i64} {
  func.func @_sc_body(%arg0: i32, %arg1: i32, %arg2: memref<1024x128xf32, #tpu.memory_space<hbm>>, %arg3: memref<1024x128xf32, #tpu.memory_space<hbm>>, %arg4: memref<1024x64xf32, #tpu.memory_space<hbm>>, %arg5: memref<1024x3xf32, #tpu.memory_space<hbm>>, %arg6: memref<3x16xf32, #tpu.memory_space<hbm>>, %arg7: memref<12582912xf32, #tpu.memory_space<hbm>>, %arg8: memref<16x128xf32, #tpu.memory_space<vmem>>, %arg9: memref<16x128xf32, #tpu.memory_space<vmem>>, %arg10: memref<16x64xf32, #tpu.memory_space<vmem>>, %arg11: memref<16x3xf32, #tpu.memory_space<vmem>>, %arg12: memref<3x16xf32, #tpu.memory_space<vmem>>, %arg13: memref<2048xf32, #tpu.memory_space<vmem>>, %arg14: memref<32xf32, #tpu.memory_space<vmem>>, %arg15: memref<3072xf32, #tpu.memory_space<vmem>>, %arg16: memref<3072xf32, #tpu.memory_space<vmem>>) attributes {dimension_semantics = [#tpu.dimension_semantics<core_parallel>, #tpu.dimension_semantics<subcore_parallel>], iteration_bounds = array<i64: 2, 16>, scalar_prefetch = 0 : i64, scratch_operands = 9 : i64, tpu.core_type = #tpu.core_type<sc_vector_subcore>, window_params = [{transform_indices = #map}, {transform_indices = #map}, {transform_indices = #map}, {transform_indices = #map}, {transform_indices = #map}, {transform_indices = #map1}]} {
    %mul3A = arith.constant 2 : i32
    %mul3A_0 = arith.muli %arg1, %mul3A : i32
    %add3A = arith.addi %mul3A_0, %arg0 : i32
    %iota3A = tpu.iota {dimensions = array<i32: 0>} : vector<16xi32>
    %broadcast_in_dim3A = arith.constant 0 : i32
    %broadcast_in_dim3A_1 = vector.broadcast %broadcast_in_dim3A : i32 to vector<16xi32>
    "tpu.region"() ({
      %run_scoped3A = tpu.sem_alloc : memref<!tpu.dma_semaphore, #tpu.memory_space<semaphore_mem>>
      tpu.enqueue_dma source(%arg6 : memref<3x16xf32, #tpu.memory_space<hbm>>) target(%arg12 : memref<3x16xf32, #tpu.memory_space<vmem>>) target_semaphore(%run_scoped3A : memref<!tpu.dma_semaphore, #tpu.memory_space<semaphore_mem>>)
      tpu.wait_dma2 semaphore(%run_scoped3A : memref<!tpu.dma_semaphore, #tpu.memory_space<semaphore_mem>>) src(%arg6 : memref<3x16xf32, #tpu.memory_space<hbm>>) dst(%arg12 : memref<3x16xf32, #tpu.memory_space<vmem>>)
      tpu.yield
    }) : () -> ()
    %scan3A = arith.constant 0 : i32
    %scan3A_2 = arith.constant 0 : i32
    %scan3A_3 = arith.constant 2 : i32
    %scan3A_4 = arith.addi %scan3A_2, %scan3A_3 : i32
    %scan3A_5 = arith.constant 1 : i32
    scf.for %scan3A_7 = %scan3A_2 to %scan3A_4 step %scan3A_5  : i32 {
      %mul3A_8 = arith.constant 32 : i32
      %mul3A_9 = arith.muli %add3A, %mul3A_8 : i32
      %mul3A_10 = arith.constant 16 : i32
      %mul3A_11 = arith.muli %scan3A_7, %mul3A_10 : i32
      %add3A_12 = arith.addi %mul3A_9, %mul3A_11 : i32
      "tpu.region"() ({
        %run_scoped3A = tpu.sem_alloc : memref<!tpu.dma_semaphore, #tpu.memory_space<semaphore_mem>>
        %dma_start3A = arith.constant 0 : i32
        %dma_start3A_43 = tpu.memref_slice %arg2[%add3A_12, %dma_start3A] : memref<1024x128xf32, #tpu.memory_space<hbm>> -> memref<16x128xf32, #tpu.memory_space<hbm>>
        %dma_start3A_44 = arith.constant 0 : i32
        %dma_start3A_45 = tpu.memref_slice %arg2[%add3A_12, %dma_start3A_44] : memref<1024x128xf32, #tpu.memory_space<hbm>> -> memref<16x128xf32, #tpu.memory_space<hbm>>
        tpu.enqueue_dma source(%dma_start3A_45 : memref<16x128xf32, #tpu.memory_space<hbm>>) target(%arg8 : memref<16x128xf32, #tpu.memory_space<vmem>>) target_semaphore(%run_scoped3A : memref<!tpu.dma_semaphore, #tpu.memory_space<semaphore_mem>>)
        %dma_wait3A = arith.constant 0 : i32
        %dma_wait3A_46 = tpu.memref_slice %arg2[%add3A_12, %dma_wait3A] : memref<1024x128xf32, #tpu.memory_space<hbm>> -> memref<16x128xf32, #tpu.memory_space<hbm>>
        %dma_wait3A_47 = arith.constant 0 : i32
        %dma_wait3A_48 = tpu.memref_slice %arg2[%add3A_12, %dma_wait3A_47] : memref<1024x128xf32, #tpu.memory_space<hbm>> -> memref<16x128xf32, #tpu.memory_space<hbm>>
        tpu.wait_dma2 semaphore(%run_scoped3A : memref<!tpu.dma_semaphore, #tpu.memory_space<semaphore_mem>>) src(%dma_wait3A_48 : memref<16x128xf32, #tpu.memory_space<hbm>>) dst(%arg8 : memref<16x128xf32, #tpu.memory_space<vmem>>)
        tpu.yield
      }) : () -> ()
      "tpu.region"() ({
        %run_scoped3A = tpu.sem_alloc : memref<!tpu.dma_semaphore, #tpu.memory_space<semaphore_mem>>
        %dma_start3A = arith.constant 0 : i32
        %dma_start3A_43 = tpu.memref_slice %arg3[%add3A_12, %dma_start3A] : memref<1024x128xf32, #tpu.memory_space<hbm>> -> memref<16x128xf32, #tpu.memory_space<hbm>>
        %dma_start3A_44 = arith.constant 0 : i32
        %dma_start3A_45 = tpu.memref_slice %arg3[%add3A_12, %dma_start3A_44] : memref<1024x128xf32, #tpu.memory_space<hbm>> -> memref<16x128xf32, #tpu.memory_space<hbm>>
        tpu.enqueue_dma source(%dma_start3A_45 : memref<16x128xf32, #tpu.memory_space<hbm>>) target(%arg9 : memref<16x128xf32, #tpu.memory_space<vmem>>) target_semaphore(%run_scoped3A : memref<!tpu.dma_semaphore, #tpu.memory_space<semaphore_mem>>)
        %dma_wait3A = arith.constant 0 : i32
        %dma_wait3A_46 = tpu.memref_slice %arg3[%add3A_12, %dma_wait3A] : memref<1024x128xf32, #tpu.memory_space<hbm>> -> memref<16x128xf32, #tpu.memory_space<hbm>>
        %dma_wait3A_47 = arith.constant 0 : i32
        %dma_wait3A_48 = tpu.memref_slice %arg3[%add3A_12, %dma_wait3A_47] : memref<1024x128xf32, #tpu.memory_space<hbm>> -> memref<16x128xf32, #tpu.memory_space<hbm>>
        tpu.wait_dma2 semaphore(%run_scoped3A : memref<!tpu.dma_semaphore, #tpu.memory_space<semaphore_mem>>) src(%dma_wait3A_48 : memref<16x128xf32, #tpu.memory_space<hbm>>) dst(%arg9 : memref<16x128xf32, #tpu.memory_space<vmem>>)
        tpu.yield
      }) : () -> ()
      "tpu.region"() ({
        %run_scoped3A = tpu.sem_alloc : memref<!tpu.dma_semaphore, #tpu.memory_space<semaphore_mem>>
        %dma_start3A = arith.constant 0 : i32
        %dma_start3A_43 = tpu.memref_slice %arg4[%add3A_12, %dma_start3A] : memref<1024x64xf32, #tpu.memory_space<hbm>> -> memref<16x64xf32, #tpu.memory_space<hbm>>
        %dma_start3A_44 = arith.constant 0 : i32
        %dma_start3A_45 = tpu.memref_slice %arg4[%add3A_12, %dma_start3A_44] : memref<1024x64xf32, #tpu.memory_space<hbm>> -> memref<16x64xf32, #tpu.memory_space<hbm>>
        tpu.enqueue_dma source(%dma_start3A_45 : memref<16x64xf32, #tpu.memory_space<hbm>>) target(%arg10 : memref<16x64xf32, #tpu.memory_space<vmem>>) target_semaphore(%run_scoped3A : memref<!tpu.dma_semaphore, #tpu.memory_space<semaphore_mem>>)
        %dma_wait3A = arith.constant 0 : i32
        %dma_wait3A_46 = tpu.memref_slice %arg4[%add3A_12, %dma_wait3A] : memref<1024x64xf32, #tpu.memory_space<hbm>> -> memref<16x64xf32, #tpu.memory_space<hbm>>
        %dma_wait3A_47 = arith.constant 0 : i32
        %dma_wait3A_48 = tpu.memref_slice %arg4[%add3A_12, %dma_wait3A_47] : memref<1024x64xf32, #tpu.memory_space<hbm>> -> memref<16x64xf32, #tpu.memory_space<hbm>>
        tpu.wait_dma2 semaphore(%run_scoped3A : memref<!tpu.dma_semaphore, #tpu.memory_space<semaphore_mem>>) src(%dma_wait3A_48 : memref<16x64xf32, #tpu.memory_space<hbm>>) dst(%arg10 : memref<16x64xf32, #tpu.memory_space<vmem>>)
        tpu.yield
      }) : () -> ()
      "tpu.region"() ({
        %run_scoped3A = tpu.sem_alloc : memref<!tpu.dma_semaphore, #tpu.memory_space<semaphore_mem>>
        %dma_start3A = arith.constant 0 : i32
        %dma_start3A_43 = tpu.memref_slice %arg5[%add3A_12, %dma_start3A] : memref<1024x3xf32, #tpu.memory_space<hbm>> -> memref<16x3xf32, #tpu.memory_space<hbm>>
        %dma_start3A_44 = arith.constant 0 : i32
        %dma_start3A_45 = tpu.memref_slice %arg5[%add3A_12, %dma_start3A_44] : memref<1024x3xf32, #tpu.memory_space<hbm>> -> memref<16x3xf32, #tpu.memory_space<hbm>>
        tpu.enqueue_dma source(%dma_start3A_45 : memref<16x3xf32, #tpu.memory_space<hbm>>) target(%arg11 : memref<16x3xf32, #tpu.memory_space<vmem>>) target_semaphore(%run_scoped3A : memref<!tpu.dma_semaphore, #tpu.memory_space<semaphore_mem>>)
        %dma_wait3A = arith.constant 0 : i32
        %dma_wait3A_46 = tpu.memref_slice %arg5[%add3A_12, %dma_wait3A] : memref<1024x3xf32, #tpu.memory_space<hbm>> -> memref<16x3xf32, #tpu.memory_space<hbm>>
        %dma_wait3A_47 = arith.constant 0 : i32
        %dma_wait3A_48 = tpu.memref_slice %arg5[%add3A_12, %dma_wait3A_47] : memref<1024x3xf32, #tpu.memory_space<hbm>> -> memref<16x3xf32, #tpu.memory_space<hbm>>
        tpu.wait_dma2 semaphore(%run_scoped3A : memref<!tpu.dma_semaphore, #tpu.memory_space<semaphore_mem>>) src(%dma_wait3A_48 : memref<16x3xf32, #tpu.memory_space<hbm>>) dst(%arg11 : memref<16x3xf32, #tpu.memory_space<vmem>>)
        tpu.yield
      }) : () -> ()
      %add3A_13 = arith.constant 127 : i32
      %add3A_14 = vector.broadcast %add3A_13 : i32 to vector<16xi32>
      %add3A_15 = arith.addi %broadcast_in_dim3A_1, %add3A_14 : vector<16xi32>
      %gather3A = tpu.vector_load_idx %arg8[%iota3A, %add3A_15] : memref<16x128xf32, #tpu.memory_space<vmem>>[vector<16xi32>, vector<16xi32>], vector<16xf32>,
      %div3A = arith.constant 2.000000e-01 : f32
      %div3A_16 = vector.broadcast %div3A : f32 to vector<16xf32>
      %div3A_17 = arith.divf %div3A_16, %gather3A : vector<16xf32>
      %swap3A = arith.constant 0 : index
      %swap3A_18 = tpu.vector_load %arg14[%swap3A] {strides = array<i32>} : memref<32xf32, #tpu.memory_space<vmem>>, vector<16xf32>,
      tpu.vector_store %arg14[%swap3A], %div3A_17 {strides = array<i32>} : memref<32xf32, #tpu.memory_space<vmem>>, vector<16xf32>,
      %broadcast_in_dim3A_19 = arith.constant 1.000000e+00 : f32
      %broadcast_in_dim3A_20 = vector.broadcast %broadcast_in_dim3A_19 : f32 to vector<16xf32>
      %swap3A_21 = arith.constant 16 : index
      %swap3A_22 = tpu.vector_load %arg14[%swap3A_21] {strides = array<i32>} : memref<32xf32, #tpu.memory_space<vmem>>, vector<16xf32>,
      tpu.vector_store %arg14[%swap3A_21], %broadcast_in_dim3A_20 {strides = array<i32>} : memref<32xf32, #tpu.memory_space<vmem>>, vector<16xf32>,
      %scan3A_23 = arith.constant 0 : i32
      %scan3A_24 = arith.constant 0 : i32
      %scan3A_25 = arith.constant 128 : i32
      %scan3A_26 = arith.addi %scan3A_24, %scan3A_25 : i32
      %scan3A_27 = arith.constant 1 : i32
      scf.for %scan3A_43 = %scan3A_24 to %scan3A_26 step %scan3A_27  : i32 {
        %add3A_44 = vector.broadcast %scan3A_43 : i32 to vector<16xi32>
        %add3A_45 = arith.addi %broadcast_in_dim3A_1, %add3A_44 : vector<16xi32>
        %get3A = arith.constant 16 : index
        %get3A_46 = tpu.vector_load %arg14[%get3A] {strides = array<i32>} : memref<32xf32, #tpu.memory_space<vmem>>, vector<16xf32>,
        %gather3A_47 = tpu.vector_load_idx %arg9[%iota3A, %add3A_45] : memref<16x128xf32, #tpu.memory_space<vmem>>[vector<16xi32>, vector<16xi32>], vector<16xf32>,
        %gather3A_48 = tpu.vector_load_idx %arg8[%iota3A, %add3A_45] : memref<16x128xf32, #tpu.memory_space<vmem>>[vector<16xi32>, vector<16xi32>], vector<16xf32>,
        %sub3A = arith.constant 1.000000e+00 : f32
        %sub3A_49 = vector.broadcast %sub3A : f32 to vector<16xf32>
        %sub3A_50 = arith.subf %sub3A_49, %get3A_46 : vector<16xf32>
        %mul3A_51 = arith.constant 8.000000e-01 : f32
        %mul3A_52 = vector.broadcast %mul3A_51 : f32 to vector<16xf32>
        %mul3A_53 = arith.mulf %mul3A_52, %sub3A_50 : vector<16xf32>
        %get3A_54 = arith.constant 0 : index
        %get3A_55 = tpu.vector_load %arg14[%get3A_54] {strides = array<i32>} : memref<32xf32, #tpu.memory_space<vmem>>, vector<16xf32>,
        %mul3A_56 = arith.mulf %get3A_55, %gather3A_48 : vector<16xf32>
        %add3A_57 = arith.addf %mul3A_53, %mul3A_56 : vector<16xf32>
        %mul3A_58 = arith.constant 16 : i32
        %mul3A_59 = arith.muli %scan3A_43, %mul3A_58 : i32
        %swap3A_60 = arith.index_cast %mul3A_59 : i32 to index
        %swap3A_61 = tpu.vector_load %arg13[%swap3A_60] {strides = array<i32>} : memref<2048xf32, #tpu.memory_space<vmem>>, vector<16xf32>,
        tpu.vector_store %arg13[%swap3A_60], %add3A_57 {strides = array<i32>} : memref<2048xf32, #tpu.memory_space<vmem>>, vector<16xf32>,
        %sub3A_62 = arith.constant 1.000000e+00 : f32
        %sub3A_63 = vector.broadcast %sub3A_62 : f32 to vector<16xf32>
        %sub3A_64 = arith.subf %sub3A_63, %gather3A_47 : vector<16xf32>
        %mul3A_65 = arith.mulf %get3A_46, %sub3A_64 : vector<16xf32>
        %swap3A_66 = arith.constant 16 : index
        %swap3A_67 = tpu.vector_load %arg14[%swap3A_66] {strides = array<i32>} : memref<32xf32, #tpu.memory_space<vmem>>, vector<16xf32>,
        tpu.vector_store %arg14[%swap3A_66], %mul3A_65 {strides = array<i32>} : memref<32xf32, #tpu.memory_space<vmem>>, vector<16xf32>,
      }
      %scan3A_28 = arith.constant 128 : i32
      %scan3A_29 = arith.constant 0 : i32
      %scan3A_30 = arith.constant 0 : i32
      %scan3A_31 = arith.constant 64 : i32
      %scan3A_32 = arith.addi %scan3A_30, %scan3A_31 : i32
      %scan3A_33 = arith.constant 1 : i32
      scf.for %scan3A_43 = %scan3A_30 to %scan3A_32 step %scan3A_33  : i32 {
        %get3A = arith.constant 2032 : index
        %get3A_44 = tpu.vector_load %arg13[%get3A] {strides = array<i32>} : memref<2048xf32, #tpu.memory_space<vmem>>, vector<16xf32>,
        %add3A_45 = vector.broadcast %scan3A_43 : i32 to vector<16xi32>
        %add3A_46 = arith.addi %broadcast_in_dim3A_1, %add3A_45 : vector<16xi32>
        %gather3A_47 = tpu.vector_load_idx %arg10[%iota3A, %add3A_46] : memref<16x64xf32, #tpu.memory_space<vmem>>[vector<16xi32>, vector<16xi32>], vector<16xf32>,
        %convert_element_type3A = arith.sitofp %scan3A_43 : i32 to f32
        %mul3A_48 = arith.constant 1.562500e-02 : f32
        %mul3A_49 = arith.mulf %convert_element_type3A, %mul3A_48 : f32
        %add3A_50 = arith.constant 1.562500e-02 : f32
        %add3A_51 = arith.addf %mul3A_49, %add3A_50 : f32
        %mul3A_52 = vector.broadcast %mul3A_49 : f32 to vector<16xf32>
        %mul3A_53 = arith.mulf %gather3A_47, %mul3A_52 : vector<16xf32>
        %sub3A = arith.constant 1.000000e+00 : f32
        %sub3A_54 = vector.broadcast %sub3A : f32 to vector<16xf32>
        %sub3A_55 = arith.subf %sub3A_54, %gather3A_47 : vector<16xf32>
        %mul3A_56 = vector.broadcast %add3A_51 : f32 to vector<16xf32>
        %mul3A_57 = arith.mulf %sub3A_55, %mul3A_56 : vector<16xf32>
        %add3A_58 = arith.addf %mul3A_53, %mul3A_57 : vector<16xf32>
        %mul3A_59 = arith.mulf %add3A_58, %get3A_44 : vector<16xf32>
        %add3A_60 = arith.constant 63 : i32
        %add3A_61 = vector.broadcast %add3A_60 : i32 to vector<16xi32>
        %add3A_62 = arith.addi %broadcast_in_dim3A_1, %add3A_61 : vector<16xi32>
        %mul3A_63 = arith.constant 16 : i32
        %mul3A_64 = vector.broadcast %mul3A_63 : i32 to vector<16xi32>
        %mul3A_65 = arith.muli %add3A_62, %mul3A_64 : vector<16xi32>
        %add3A_66 = arith.addi %mul3A_65, %iota3A : vector<16xi32>
        %gather3A_67 = tpu.vector_load_idx %arg13[%add3A_66] : memref<2048xf32, #tpu.memory_space<vmem>>[vector<16xi32>], vector<16xf32>,
        %le3A = arith.cmpf ole, %gather3A_67, %mul3A_59 : vector<16xf32>
        %add3A_68 = arith.constant 64 : i32
        %add3A_69 = vector.broadcast %add3A_68 : i32 to vector<16xi32>
        %add3A_70 = arith.addi %broadcast_in_dim3A_1, %add3A_69 : vector<16xi32>
        %select_n3A = arith.select %le3A, %add3A_70, %broadcast_in_dim3A_1 : vector<16xi1>, vector<16xi32>
        %add3A_71 = arith.constant 31 : i32
        %add3A_72 = vector.broadcast %add3A_71 : i32 to vector<16xi32>
        %add3A_73 = arith.addi %select_n3A, %add3A_72 : vector<16xi32>
        %mul3A_74 = arith.constant 16 : i32
        %mul3A_75 = vector.broadcast %mul3A_74 : i32 to vector<16xi32>
        %mul3A_76 = arith.muli %add3A_73, %mul3A_75 : vector<16xi32>
        %add3A_77 = arith.addi %mul3A_76, %iota3A : vector<16xi32>
        %gather3A_78 = tpu.vector_load_idx %arg13[%add3A_77] : memref<2048xf32, #tpu.memory_space<vmem>>[vector<16xi32>], vector<16xf32>,
        %le3A_79 = arith.cmpf ole, %gather3A_78, %mul3A_59 : vector<16xf32>
        %add3A_80 = arith.constant 32 : i32
        %add3A_81 = vector.broadcast %add3A_80 : i32 to vector<16xi32>
        %add3A_82 = arith.addi %select_n3A, %add3A_81 : vector<16xi32>
        %select_n3A_83 = arith.select %le3A_79, %add3A_82, %select_n3A : vector<16xi1>, vector<16xi32>
        %add3A_84 = arith.constant 15 : i32
        %add3A_85 = vector.broadcast %add3A_84 : i32 to vector<16xi32>
        %add3A_86 = arith.addi %select_n3A_83, %add3A_85 : vector<16xi32>
        %mul3A_87 = arith.constant 16 : i32
        %mul3A_88 = vector.broadcast %mul3A_87 : i32 to vector<16xi32>
        %mul3A_89 = arith.muli %add3A_86, %mul3A_88 : vector<16xi32>
        %add3A_90 = arith.addi %mul3A_89, %iota3A : vector<16xi32>
        %gather3A_91 = tpu.vector_load_idx %arg13[%add3A_90] : memref<2048xf32, #tpu.memory_space<vmem>>[vector<16xi32>], vector<16xf32>,
        %le3A_92 = arith.cmpf ole, %gather3A_91, %mul3A_59 : vector<16xf32>
        %add3A_93 = arith.constant 16 : i32
        %add3A_94 = vector.broadcast %add3A_93 : i32 to vector<16xi32>
        %add3A_95 = arith.addi %select_n3A_83, %add3A_94 : vector<16xi32>
        %select_n3A_96 = arith.select %le3A_92, %add3A_95, %select_n3A_83 : vector<16xi1>, vector<16xi32>
        %add3A_97 = arith.constant 7 : i32
        %add3A_98 = vector.broadcast %add3A_97 : i32 to vector<16xi32>
        %add3A_99 = arith.addi %select_n3A_96, %add3A_98 : vector<16xi32>
        %mul3A_100 = arith.constant 16 : i32
        %mul3A_101 = vector.broadcast %mul3A_100 : i32 to vector<16xi32>
        %mul3A_102 = arith.muli %add3A_99, %mul3A_101 : vector<16xi32>
        %add3A_103 = arith.addi %mul3A_102, %iota3A : vector<16xi32>
        %gather3A_104 = tpu.vector_load_idx %arg13[%add3A_103] : memref<2048xf32, #tpu.memory_space<vmem>>[vector<16xi32>], vector<16xf32>,
        %le3A_105 = arith.cmpf ole, %gather3A_104, %mul3A_59 : vector<16xf32>
        %add3A_106 = arith.constant 8 : i32
        %add3A_107 = vector.broadcast %add3A_106 : i32 to vector<16xi32>
        %add3A_108 = arith.addi %select_n3A_96, %add3A_107 : vector<16xi32>
        %select_n3A_109 = arith.select %le3A_105, %add3A_108, %select_n3A_96 : vector<16xi1>, vector<16xi32>
        %add3A_110 = arith.constant 3 : i32
        %add3A_111 = vector.broadcast %add3A_110 : i32 to vector<16xi32>
        %add3A_112 = arith.addi %select_n3A_109, %add3A_111 : vector<16xi32>
        %mul3A_113 = arith.constant 16 : i32
        %mul3A_114 = vector.broadcast %mul3A_113 : i32 to vector<16xi32>
        %mul3A_115 = arith.muli %add3A_112, %mul3A_114 : vector<16xi32>
        %add3A_116 = arith.addi %mul3A_115, %iota3A : vector<16xi32>
        %gather3A_117 = tpu.vector_load_idx %arg13[%add3A_116] : memref<2048xf32, #tpu.memory_space<vmem>>[vector<16xi32>], vector<16xf32>,
        %le3A_118 = arith.cmpf ole, %gather3A_117, %mul3A_59 : vector<16xf32>
        %add3A_119 = arith.constant 4 : i32
        %add3A_120 = vector.broadcast %add3A_119 : i32 to vector<16xi32>
        %add3A_121 = arith.addi %select_n3A_109, %add3A_120 : vector<16xi32>
        %select_n3A_122 = arith.select %le3A_118, %add3A_121, %select_n3A_109 : vector<16xi1>, vector<16xi32>
        %add3A_123 = arith.constant 1 : i32
        %add3A_124 = vector.broadcast %add3A_123 : i32 to vector<16xi32>
        %add3A_125 = arith.addi %select_n3A_122, %add3A_124 : vector<16xi32>
        %mul3A_126 = arith.constant 16 : i32
        %mul3A_127 = vector.broadcast %mul3A_126 : i32 to vector<16xi32>
        %mul3A_128 = arith.muli %add3A_125, %mul3A_127 : vector<16xi32>
        %add3A_129 = arith.addi %mul3A_128, %iota3A : vector<16xi32>
        %gather3A_130 = tpu.vector_load_idx %arg13[%add3A_129] : memref<2048xf32, #tpu.memory_space<vmem>>[vector<16xi32>], vector<16xf32>,
        %le3A_131 = arith.cmpf ole, %gather3A_130, %mul3A_59 : vector<16xf32>
        %add3A_132 = arith.constant 2 : i32
        %add3A_133 = vector.broadcast %add3A_132 : i32 to vector<16xi32>
        %add3A_134 = arith.addi %select_n3A_122, %add3A_133 : vector<16xi32>
        %select_n3A_135 = arith.select %le3A_131, %add3A_134, %select_n3A_122 : vector<16xi1>, vector<16xi32>
        %add3A_136 = arith.constant 0 : i32
        %add3A_137 = vector.broadcast %add3A_136 : i32 to vector<16xi32>
        %add3A_138 = arith.addi %select_n3A_135, %add3A_137 : vector<16xi32>
        %mul3A_139 = arith.constant 16 : i32
        %mul3A_140 = vector.broadcast %mul3A_139 : i32 to vector<16xi32>
        %mul3A_141 = arith.muli %add3A_138, %mul3A_140 : vector<16xi32>
        %add3A_142 = arith.addi %mul3A_141, %iota3A : vector<16xi32>
        %gather3A_143 = tpu.vector_load_idx %arg13[%add3A_142] : memref<2048xf32, #tpu.memory_space<vmem>>[vector<16xi32>], vector<16xf32>,
        %le3A_144 = arith.cmpf ole, %gather3A_143, %mul3A_59 : vector<16xf32>
        %add3A_145 = arith.constant 1 : i32
        %add3A_146 = vector.broadcast %add3A_145 : i32 to vector<16xi32>
        %add3A_147 = arith.addi %select_n3A_135, %add3A_146 : vector<16xi32>
        %select_n3A_148 = arith.select %le3A_144, %add3A_147, %select_n3A_135 : vector<16xi1>, vector<16xi32>
        %eq3A = arith.constant 127 : i32
        %eq3A_149 = vector.broadcast %eq3A : i32 to vector<16xi32>
        %eq3A_150 = arith.cmpi eq, %select_n3A_148, %eq3A_149 : vector<16xi32>
        %le3A_151 = arith.cmpf ole, %get3A_44, %mul3A_59 : vector<16xf32>
        %and3A = arith.andi %eq3A_150, %le3A_151 : vector<16xi1>
        %add3A_152 = arith.constant 1 : i32
        %add3A_153 = vector.broadcast %add3A_152 : i32 to vector<16xi32>
        %add3A_154 = arith.addi %select_n3A_148, %add3A_153 : vector<16xi32>
        %select_n3A_155 = arith.select %and3A, %add3A_154, %select_n3A_148 : vector<16xi1>, vector<16xi32>
        %sub3A_156 = arith.constant 1 : i32
        %sub3A_157 = vector.broadcast %sub3A_156 : i32 to vector<16xi32>
        %sub3A_158 = arith.subi %select_n3A_155, %sub3A_157 : vector<16xi32>
        %max3A = arith.constant 0 : i32
        %max3A_159 = vector.broadcast %max3A : i32 to vector<16xi32>
        %max3A_160 = arith.maxsi %sub3A_158, %max3A_159 : vector<16xi32>
        %min3A = arith.constant 127 : i32
        %min3A_161 = vector.broadcast %min3A : i32 to vector<16xi32>
        %min3A_162 = arith.minsi %select_n3A_155, %min3A_161 : vector<16xi32>
        %eq3A_163 = arith.constant 0 : i32
        %eq3A_164 = vector.broadcast %eq3A_163 : i32 to vector<16xi32>
        %eq3A_165 = arith.cmpi eq, %select_n3A_155, %eq3A_164 : vector<16xi32>
        %neg3A = arith.constant 0.000000e+00 : f32
        %neg3A_166 = vector.broadcast %neg3A : f32 to vector<16xf32>
        %neg3A_167 = arith.subf %neg3A_166, %get3A_44 : vector<16xf32>
        %mul3A_168 = arith.constant 16 : i32
        %mul3A_169 = vector.broadcast %mul3A_168 : i32 to vector<16xi32>
        %mul3A_170 = arith.muli %max3A_160, %mul3A_169 : vector<16xi32>
        %add3A_171 = arith.addi %mul3A_170, %iota3A : vector<16xi32>
        %gather3A_172 = tpu.vector_load_idx %arg13[%add3A_171] : memref<2048xf32, #tpu.memory_space<vmem>>[vector<16xi32>], vector<16xf32>,
        %select_n3A_173 = arith.select %eq3A_165, %neg3A_167, %gather3A_172 : vector<16xi1>, vector<16xf32>
        %eq3A_174 = arith.constant 128 : i32
        %eq3A_175 = vector.broadcast %eq3A_174 : i32 to vector<16xi32>
        %eq3A_176 = arith.cmpi eq, %select_n3A_155, %eq3A_175 : vector<16xi32>
        %mul3A_177 = arith.constant 2.000000e+00 : f32
        %mul3A_178 = vector.broadcast %mul3A_177 : f32 to vector<16xf32>
        %mul3A_179 = arith.mulf %mul3A_178, %get3A_44 : vector<16xf32>
        %mul3A_180 = arith.constant 16 : i32
        %mul3A_181 = vector.broadcast %mul3A_180 : i32 to vector<16xi32>
        %mul3A_182 = arith.muli %min3A_162, %mul3A_181 : vector<16xi32>
        %add3A_183 = arith.addi %mul3A_182, %iota3A : vector<16xi32>
        %gather3A_184 = tpu.vector_load_idx %arg13[%add3A_183] : memref<2048xf32, #tpu.memory_space<vmem>>[vector<16xi32>], vector<16xf32>,
        %select_n3A_185 = arith.select %eq3A_176, %mul3A_179, %gather3A_184 : vector<16xi1>, vector<16xf32>
        %gather3A_186 = tpu.vector_load_idx %arg8[%iota3A, %max3A_160] : memref<16x128xf32, #tpu.memory_space<vmem>>[vector<16xi32>, vector<16xi32>], vector<16xf32>,
        %gather3A_187 = tpu.vector_load_idx %arg8[%iota3A, %min3A_162] : memref<16x128xf32, #tpu.memory_space<vmem>>[vector<16xi32>, vector<16xi32>], vector<16xf32>,
        %sub3A_188 = arith.subf %select_n3A_185, %select_n3A_173 : vector<16xf32>
        %mul3A_189 = arith.constant 9.99999997E-7 : f32
        %mul3A_190 = vector.broadcast %mul3A_189 : f32 to vector<16xf32>
        %mul3A_191 = arith.mulf %mul3A_190, %get3A_44 : vector<16xf32>
        %gt3A = arith.cmpf ogt, %sub3A_188, %mul3A_191 : vector<16xf32>
        %sub3A_192 = arith.subf %mul3A_59, %select_n3A_173 : vector<16xf32>
        %sub3A_193 = arith.subf %gather3A_187, %gather3A_186 : vector<16xf32>
        %mul3A_194 = arith.mulf %sub3A_192, %sub3A_193 : vector<16xf32>
        %jit3A = arith.constant 1.000000e+00 : f32
        %broadcast_in_dim3A_195 = vector.broadcast %jit3A : f32 to vector<16xf32>
        %select_n3A_196 = arith.select %gt3A, %sub3A_188, %broadcast_in_dim3A_195 : vector<16xi1>, vector<16xf32>
        %div3A_197 = arith.divf %mul3A_194, %select_n3A_196 : vector<16xf32>
        %jit3A_198 = arith.constant 0.000000e+00 : f32
        %broadcast_in_dim3A_199 = vector.broadcast %jit3A_198 : f32 to vector<16xf32>
        %select_n3A_200 = arith.select %gt3A, %div3A_197, %broadcast_in_dim3A_199 : vector<16xi1>, vector<16xf32>
        %add3A_201 = arith.addf %gather3A_186, %select_n3A_200 : vector<16xf32>
        %gather3A_202 = tpu.vector_load_idx %arg11[%iota3A, %broadcast_in_dim3A_1] : memref<16x3xf32, #tpu.memory_space<vmem>>[vector<16xi32>, vector<16xi32>], vector<16xf32>,
        %add3A_203 = arith.constant 1 : i32
        %add3A_204 = vector.broadcast %add3A_203 : i32 to vector<16xi32>
        %add3A_205 = arith.addi %broadcast_in_dim3A_1, %add3A_204 : vector<16xi32>
        %gather3A_206 = tpu.vector_load_idx %arg11[%iota3A, %add3A_205] : memref<16x3xf32, #tpu.memory_space<vmem>>[vector<16xi32>, vector<16xi32>], vector<16xf32>,
        %add3A_207 = arith.constant 2 : i32
        %add3A_208 = vector.broadcast %add3A_207 : i32 to vector<16xi32>
        %add3A_209 = arith.addi %broadcast_in_dim3A_1, %add3A_208 : vector<16xi32>
        %gather3A_210 = tpu.vector_load_idx %arg11[%iota3A, %add3A_209] : memref<16x3xf32, #tpu.memory_space<vmem>>[vector<16xi32>, vector<16xi32>], vector<16xf32>,
        %mul3A_211 = arith.constant 48 : i32
        %mul3A_212 = arith.muli %scan3A_43, %mul3A_211 : i32
        %get3A_213 = arith.constant 0 : i32
        %get3A_214 = arith.index_cast %get3A_213 : i32 to index
        %get3A_215 = arith.constant 0 : index
        %get3A_216 = tpu.vector_load %arg12[%get3A_214, %get3A_215] {strides = array<i32>} : memref<3x16xf32, #tpu.memory_space<vmem>>, vector<16xf32>,
        %mul3A_217 = arith.mulf %add3A_201, %gather3A_202 : vector<16xf32>
        %add3A_218 = arith.addf %get3A_216, %mul3A_217 : vector<16xf32>
        %swap3A_219 = arith.index_cast %mul3A_212 : i32 to index
        %swap3A_220 = tpu.vector_load %arg15[%swap3A_219] {strides = array<i32>} : memref<3072xf32, #tpu.memory_space<vmem>>, vector<16xf32>,
        tpu.vector_store %arg15[%swap3A_219], %add3A_218 {strides = array<i32>} : memref<3072xf32, #tpu.memory_space<vmem>>, vector<16xf32>,
        %get3A_221 = arith.constant 1 : i32
        %get3A_222 = arith.index_cast %get3A_221 : i32 to index
        %get3A_223 = arith.constant 0 : index
        %get3A_224 = tpu.vector_load %arg12[%get3A_222, %get3A_223] {strides = array<i32>} : memref<3x16xf32, #tpu.memory_space<vmem>>, vector<16xf32>,
        %mul3A_225 = arith.mulf %add3A_201, %gather3A_206 : vector<16xf32>
        %add3A_226 = arith.addf %get3A_224, %mul3A_225 : vector<16xf32>
        %add3A_227 = arith.constant 16 : i32
        %add3A_228 = arith.addi %mul3A_212, %add3A_227 : i32
        %swap3A_229 = arith.index_cast %add3A_228 : i32 to index
        %swap3A_230 = tpu.vector_load %arg15[%swap3A_229] {strides = array<i32>} : memref<3072xf32, #tpu.memory_space<vmem>>, vector<16xf32>,
        tpu.vector_store %arg15[%swap3A_229], %add3A_226 {strides = array<i32>} : memref<3072xf32, #tpu.memory_space<vmem>>, vector<16xf32>,
        %get3A_231 = arith.constant 2 : i32
        %get3A_232 = arith.index_cast %get3A_231 : i32 to index
        %get3A_233 = arith.constant 0 : index
        %get3A_234 = tpu.vector_load %arg12[%get3A_232, %get3A_233] {strides = array<i32>} : memref<3x16xf32, #tpu.memory_space<vmem>>, vector<16xf32>,
        %mul3A_235 = arith.mulf %add3A_201, %gather3A_210 : vector<16xf32>
        %add3A_236 = arith.addf %get3A_234, %mul3A_235 : vector<16xf32>
        %add3A_237 = arith.constant 32 : i32
        %add3A_238 = arith.addi %mul3A_212, %add3A_237 : i32
        %swap3A_239 = arith.index_cast %add3A_238 : i32 to index
        %swap3A_240 = tpu.vector_load %arg15[%swap3A_239] {strides = array<i32>} : memref<3072xf32, #tpu.memory_space<vmem>>, vector<16xf32>,
        tpu.vector_store %arg15[%swap3A_239], %add3A_236 {strides = array<i32>} : memref<3072xf32, #tpu.memory_space<vmem>>, vector<16xf32>,
      }
      %scan3A_34 = arith.constant 64 : i32
      %scan3A_35 = arith.constant 0 : i32
      %scan3A_36 = arith.constant 0 : i32
      %scan3A_37 = arith.constant 16 : i32
      %scan3A_38 = arith.addi %scan3A_36, %scan3A_37 : i32
      %scan3A_39 = arith.constant 1 : i32
      scf.for %scan3A_43 = %scan3A_36 to %scan3A_38 step %scan3A_39  : i32 {
        %mul3A_44 = arith.constant 16 : i32
        %mul3A_45 = vector.broadcast %mul3A_44 : i32 to vector<16xi32>
        %mul3A_46 = arith.muli %iota3A, %mul3A_45 : vector<16xi32>
        %add3A_47 = arith.constant 0 : i32
        %add3A_48 = vector.broadcast %add3A_47 : i32 to vector<16xi32>
        %add3A_49 = arith.addi %add3A_48, %mul3A_46 : vector<16xi32>
        %add3A_50 = vector.broadcast %scan3A_43 : i32 to vector<16xi32>
        %add3A_51 = arith.addi %add3A_49, %add3A_50 : vector<16xi32>
        %gather3A_52 = tpu.vector_load_idx %arg15[%add3A_51] : memref<3072xf32, #tpu.memory_space<vmem>>[vector<16xi32>], vector<16xf32>,
        %mul3A_53 = arith.constant 192 : i32
        %mul3A_54 = arith.muli %scan3A_43, %mul3A_53 : i32
        %add3A_55 = arith.constant 0 : i32
        %add3A_56 = arith.addi %mul3A_54, %add3A_55 : i32
        %swap3A_57 = arith.index_cast %add3A_56 : i32 to index
        %swap3A_58 = tpu.vector_load %arg16[%swap3A_57] {strides = array<i32>} : memref<3072xf32, #tpu.memory_space<vmem>>, vector<16xf32>,
        tpu.vector_store %arg16[%swap3A_57], %gather3A_52 {strides = array<i32>} : memref<3072xf32, #tpu.memory_space<vmem>>, vector<16xf32>,
        %mul3A_59 = arith.constant 16 : i32
        %mul3A_60 = vector.broadcast %mul3A_59 : i32 to vector<16xi32>
        %mul3A_61 = arith.muli %iota3A, %mul3A_60 : vector<16xi32>
        %add3A_62 = arith.constant 256 : i32
        %add3A_63 = vector.broadcast %add3A_62 : i32 to vector<16xi32>
        %add3A_64 = arith.addi %add3A_63, %mul3A_61 : vector<16xi32>
        %add3A_65 = vector.broadcast %scan3A_43 : i32 to vector<16xi32>
        %add3A_66 = arith.addi %add3A_64, %add3A_65 : vector<16xi32>
        %gather3A_67 = tpu.vector_load_idx %arg15[%add3A_66] : memref<3072xf32, #tpu.memory_space<vmem>>[vector<16xi32>], vector<16xf32>,
        %mul3A_68 = arith.constant 192 : i32
        %mul3A_69 = arith.muli %scan3A_43, %mul3A_68 : i32
        %add3A_70 = arith.constant 16 : i32
        %add3A_71 = arith.addi %mul3A_69, %add3A_70 : i32
        %swap3A_72 = arith.index_cast %add3A_71 : i32 to index
        %swap3A_73 = tpu.vector_load %arg16[%swap3A_72] {strides = array<i32>} : memref<3072xf32, #tpu.memory_space<vmem>>, vector<16xf32>,
        tpu.vector_store %arg16[%swap3A_72], %gather3A_67 {strides = array<i32>} : memref<3072xf32, #tpu.memory_space<vmem>>, vector<16xf32>,
        %mul3A_74 = arith.constant 16 : i32
        %mul3A_75 = vector.broadcast %mul3A_74 : i32 to vector<16xi32>
        %mul3A_76 = arith.muli %iota3A, %mul3A_75 : vector<16xi32>
        %add3A_77 = arith.constant 512 : i32
        %add3A_78 = vector.broadcast %add3A_77 : i32 to vector<16xi32>
        %add3A_79 = arith.addi %add3A_78, %mul3A_76 : vector<16xi32>
        %add3A_80 = vector.broadcast %scan3A_43 : i32 to vector<16xi32>
        %add3A_81 = arith.addi %add3A_79, %add3A_80 : vector<16xi32>
        %gather3A_82 = tpu.vector_load_idx %arg15[%add3A_81] : memref<3072xf32, #tpu.memory_space<vmem>>[vector<16xi32>], vector<16xf32>,
        %mul3A_83 = arith.constant 192 : i32
        %mul3A_84 = arith.muli %scan3A_43, %mul3A_83 : i32
        %add3A_85 = arith.constant 32 : i32
        %add3A_86 = arith.addi %mul3A_84, %add3A_85 : i32
        %swap3A_87 = arith.index_cast %add3A_86 : i32 to index
        %swap3A_88 = tpu.vector_load %arg16[%swap3A_87] {strides = array<i32>} : memref<3072xf32, #tpu.memory_space<vmem>>, vector<16xf32>,
        tpu.vector_store %arg16[%swap3A_87], %gather3A_82 {strides = array<i32>} : memref<3072xf32, #tpu.memory_space<vmem>>, vector<16xf32>,
        %mul3A_89 = arith.constant 16 : i32
        %mul3A_90 = vector.broadcast %mul3A_89 : i32 to vector<16xi32>
        %mul3A_91 = arith.muli %iota3A, %mul3A_90 : vector<16xi32>
        %add3A_92 = arith.constant 768 : i32
        %add3A_93 = vector.broadcast %add3A_92 : i32 to vector<16xi32>
        %add3A_94 = arith.addi %add3A_93, %mul3A_91 : vector<16xi32>
        %add3A_95 = vector.broadcast %scan3A_43 : i32 to vector<16xi32>
        %add3A_96 = arith.addi %add3A_94, %add3A_95 : vector<16xi32>
        %gather3A_97 = tpu.vector_load_idx %arg15[%add3A_96] : memref<3072xf32, #tpu.memory_space<vmem>>[vector<16xi32>], vector<16xf32>,
        %mul3A_98 = arith.constant 192 : i32
        %mul3A_99 = arith.muli %scan3A_43, %mul3A_98 : i32
        %add3A_100 = arith.constant 48 : i32
        %add3A_101 = arith.addi %mul3A_99, %add3A_100 : i32
        %swap3A_102 = arith.index_cast %add3A_101 : i32 to index
        %swap3A_103 = tpu.vector_load %arg16[%swap3A_102] {strides = array<i32>} : memref<3072xf32, #tpu.memory_space<vmem>>, vector<16xf32>,
        tpu.vector_store %arg16[%swap3A_102], %gather3A_97 {strides = array<i32>} : memref<3072xf32, #tpu.memory_space<vmem>>, vector<16xf32>,
        %mul3A_104 = arith.constant 16 : i32
        %mul3A_105 = vector.broadcast %mul3A_104 : i32 to vector<16xi32>
        %mul3A_106 = arith.muli %iota3A, %mul3A_105 : vector<16xi32>
        %add3A_107 = arith.constant 1024 : i32
        %add3A_108 = vector.broadcast %add3A_107 : i32 to vector<16xi32>
        %add3A_109 = arith.addi %add3A_108, %mul3A_106 : vector<16xi32>
        %add3A_110 = vector.broadcast %scan3A_43 : i32 to vector<16xi32>
        %add3A_111 = arith.addi %add3A_109, %add3A_110 : vector<16xi32>
        %gather3A_112 = tpu.vector_load_idx %arg15[%add3A_111] : memref<3072xf32, #tpu.memory_space<vmem>>[vector<16xi32>], vector<16xf32>,
        %mul3A_113 = arith.constant 192 : i32
        %mul3A_114 = arith.muli %scan3A_43, %mul3A_113 : i32
        %add3A_115 = arith.constant 64 : i32
        %add3A_116 = arith.addi %mul3A_114, %add3A_115 : i32
        %swap3A_117 = arith.index_cast %add3A_116 : i32 to index
        %swap3A_118 = tpu.vector_load %arg16[%swap3A_117] {strides = array<i32>} : memref<3072xf32, #tpu.memory_space<vmem>>, vector<16xf32>,
        tpu.vector_store %arg16[%swap3A_117], %gather3A_112 {strides = array<i32>} : memref<3072xf32, #tpu.memory_space<vmem>>, vector<16xf32>,
        %mul3A_119 = arith.constant 16 : i32
        %mul3A_120 = vector.broadcast %mul3A_119 : i32 to vector<16xi32>
        %mul3A_121 = arith.muli %iota3A, %mul3A_120 : vector<16xi32>
        %add3A_122 = arith.constant 1280 : i32
        %add3A_123 = vector.broadcast %add3A_122 : i32 to vector<16xi32>
        %add3A_124 = arith.addi %add3A_123, %mul3A_121 : vector<16xi32>
        %add3A_125 = vector.broadcast %scan3A_43 : i32 to vector<16xi32>
        %add3A_126 = arith.addi %add3A_124, %add3A_125 : vector<16xi32>
        %gather3A_127 = tpu.vector_load_idx %arg15[%add3A_126] : memref<3072xf32, #tpu.memory_space<vmem>>[vector<16xi32>], vector<16xf32>,
        %mul3A_128 = arith.constant 192 : i32
        %mul3A_129 = arith.muli %scan3A_43, %mul3A_128 : i32
        %add3A_130 = arith.constant 80 : i32
        %add3A_131 = arith.addi %mul3A_129, %add3A_130 : i32
        %swap3A_132 = arith.index_cast %add3A_131 : i32 to index
        %swap3A_133 = tpu.vector_load %arg16[%swap3A_132] {strides = array<i32>} : memref<3072xf32, #tpu.memory_space<vmem>>, vector<16xf32>,
        tpu.vector_store %arg16[%swap3A_132], %gather3A_127 {strides = array<i32>} : memref<3072xf32, #tpu.memory_space<vmem>>, vector<16xf32>,
        %mul3A_134 = arith.constant 16 : i32
        %mul3A_135 = vector.broadcast %mul3A_134 : i32 to vector<16xi32>
        %mul3A_136 = arith.muli %iota3A, %mul3A_135 : vector<16xi32>
        %add3A_137 = arith.constant 1536 : i32
        %add3A_138 = vector.broadcast %add3A_137 : i32 to vector<16xi32>
        %add3A_139 = arith.addi %add3A_138, %mul3A_136 : vector<16xi32>
        %add3A_140 = vector.broadcast %scan3A_43 : i32 to vector<16xi32>
        %add3A_141 = arith.addi %add3A_139, %add3A_140 : vector<16xi32>
        %gather3A_142 = tpu.vector_load_idx %arg15[%add3A_141] : memref<3072xf32, #tpu.memory_space<vmem>>[vector<16xi32>], vector<16xf32>,
        %mul3A_143 = arith.constant 192 : i32
        %mul3A_144 = arith.muli %scan3A_43, %mul3A_143 : i32
        %add3A_145 = arith.constant 96 : i32
        %add3A_146 = arith.addi %mul3A_144, %add3A_145 : i32
        %swap3A_147 = arith.index_cast %add3A_146 : i32 to index
        %swap3A_148 = tpu.vector_load %arg16[%swap3A_147] {strides = array<i32>} : memref<3072xf32, #tpu.memory_space<vmem>>, vector<16xf32>,
        tpu.vector_store %arg16[%swap3A_147], %gather3A_142 {strides = array<i32>} : memref<3072xf32, #tpu.memory_space<vmem>>, vector<16xf32>,
        %mul3A_149 = arith.constant 16 : i32
        %mul3A_150 = vector.broadcast %mul3A_149 : i32 to vector<16xi32>
        %mul3A_151 = arith.muli %iota3A, %mul3A_150 : vector<16xi32>
        %add3A_152 = arith.constant 1792 : i32
        %add3A_153 = vector.broadcast %add3A_152 : i32 to vector<16xi32>
        %add3A_154 = arith.addi %add3A_153, %mul3A_151 : vector<16xi32>
        %add3A_155 = vector.broadcast %scan3A_43 : i32 to vector<16xi32>
        %add3A_156 = arith.addi %add3A_154, %add3A_155 : vector<16xi32>
        %gather3A_157 = tpu.vector_load_idx %arg15[%add3A_156] : memref<3072xf32, #tpu.memory_space<vmem>>[vector<16xi32>], vector<16xf32>,
        %mul3A_158 = arith.constant 192 : i32
        %mul3A_159 = arith.muli %scan3A_43, %mul3A_158 : i32
        %add3A_160 = arith.constant 112 : i32
        %add3A_161 = arith.addi %mul3A_159, %add3A_160 : i32
        %swap3A_162 = arith.index_cast %add3A_161 : i32 to index
        %swap3A_163 = tpu.vector_load %arg16[%swap3A_162] {strides = array<i32>} : memref<3072xf32, #tpu.memory_space<vmem>>, vector<16xf32>,
        tpu.vector_store %arg16[%swap3A_162], %gather3A_157 {strides = array<i32>} : memref<3072xf32, #tpu.memory_space<vmem>>, vector<16xf32>,
        %mul3A_164 = arith.constant 16 : i32
        %mul3A_165 = vector.broadcast %mul3A_164 : i32 to vector<16xi32>
        %mul3A_166 = arith.muli %iota3A, %mul3A_165 : vector<16xi32>
        %add3A_167 = arith.constant 2048 : i32
        %add3A_168 = vector.broadcast %add3A_167 : i32 to vector<16xi32>
        %add3A_169 = arith.addi %add3A_168, %mul3A_166 : vector<16xi32>
        %add3A_170 = vector.broadcast %scan3A_43 : i32 to vector<16xi32>
        %add3A_171 = arith.addi %add3A_169, %add3A_170 : vector<16xi32>
        %gather3A_172 = tpu.vector_load_idx %arg15[%add3A_171] : memref<3072xf32, #tpu.memory_space<vmem>>[vector<16xi32>], vector<16xf32>,
        %mul3A_173 = arith.constant 192 : i32
        %mul3A_174 = arith.muli %scan3A_43, %mul3A_173 : i32
        %add3A_175 = arith.constant 128 : i32
        %add3A_176 = arith.addi %mul3A_174, %add3A_175 : i32
        %swap3A_177 = arith.index_cast %add3A_176 : i32 to index
        %swap3A_178 = tpu.vector_load %arg16[%swap3A_177] {strides = array<i32>} : memref<3072xf32, #tpu.memory_space<vmem>>, vector<16xf32>,
        tpu.vector_store %arg16[%swap3A_177], %gather3A_172 {strides = array<i32>} : memref<3072xf32, #tpu.memory_space<vmem>>, vector<16xf32>,
        %mul3A_179 = arith.constant 16 : i32
        %mul3A_180 = vector.broadcast %mul3A_179 : i32 to vector<16xi32>
        %mul3A_181 = arith.muli %iota3A, %mul3A_180 : vector<16xi32>
        %add3A_182 = arith.constant 2304 : i32
        %add3A_183 = vector.broadcast %add3A_182 : i32 to vector<16xi32>
        %add3A_184 = arith.addi %add3A_183, %mul3A_181 : vector<16xi32>
        %add3A_185 = vector.broadcast %scan3A_43 : i32 to vector<16xi32>
        %add3A_186 = arith.addi %add3A_184, %add3A_185 : vector<16xi32>
        %gather3A_187 = tpu.vector_load_idx %arg15[%add3A_186] : memref<3072xf32, #tpu.memory_space<vmem>>[vector<16xi32>], vector<16xf32>,
        %mul3A_188 = arith.constant 192 : i32
        %mul3A_189 = arith.muli %scan3A_43, %mul3A_188 : i32
        %add3A_190 = arith.constant 144 : i32
        %add3A_191 = arith.addi %mul3A_189, %add3A_190 : i32
        %swap3A_192 = arith.index_cast %add3A_191 : i32 to index
        %swap3A_193 = tpu.vector_load %arg16[%swap3A_192] {strides = array<i32>} : memref<3072xf32, #tpu.memory_space<vmem>>, vector<16xf32>,
        tpu.vector_store %arg16[%swap3A_192], %gather3A_187 {strides = array<i32>} : memref<3072xf32, #tpu.memory_space<vmem>>, vector<16xf32>,
        %mul3A_194 = arith.constant 16 : i32
        %mul3A_195 = vector.broadcast %mul3A_194 : i32 to vector<16xi32>
        %mul3A_196 = arith.muli %iota3A, %mul3A_195 : vector<16xi32>
        %add3A_197 = arith.constant 2560 : i32
        %add3A_198 = vector.broadcast %add3A_197 : i32 to vector<16xi32>
        %add3A_199 = arith.addi %add3A_198, %mul3A_196 : vector<16xi32>
        %add3A_200 = vector.broadcast %scan3A_43 : i32 to vector<16xi32>
        %add3A_201 = arith.addi %add3A_199, %add3A_200 : vector<16xi32>
        %gather3A_202 = tpu.vector_load_idx %arg15[%add3A_201] : memref<3072xf32, #tpu.memory_space<vmem>>[vector<16xi32>], vector<16xf32>,
        %mul3A_203 = arith.constant 192 : i32
        %mul3A_204 = arith.muli %scan3A_43, %mul3A_203 : i32
        %add3A_205 = arith.constant 160 : i32
        %add3A_206 = arith.addi %mul3A_204, %add3A_205 : i32
        %swap3A_207 = arith.index_cast %add3A_206 : i32 to index
        %swap3A_208 = tpu.vector_load %arg16[%swap3A_207] {strides = array<i32>} : memref<3072xf32, #tpu.memory_space<vmem>>, vector<16xf32>,
        tpu.vector_store %arg16[%swap3A_207], %gather3A_202 {strides = array<i32>} : memref<3072xf32, #tpu.memory_space<vmem>>, vector<16xf32>,
        %mul3A_209 = arith.constant 16 : i32
        %mul3A_210 = vector.broadcast %mul3A_209 : i32 to vector<16xi32>
        %mul3A_211 = arith.muli %iota3A, %mul3A_210 : vector<16xi32>
        %add3A_212 = arith.constant 2816 : i32
        %add3A_213 = vector.broadcast %add3A_212 : i32 to vector<16xi32>
        %add3A_214 = arith.addi %add3A_213, %mul3A_211 : vector<16xi32>
        %add3A_215 = vector.broadcast %scan3A_43 : i32 to vector<16xi32>
        %add3A_216 = arith.addi %add3A_214, %add3A_215 : vector<16xi32>
        %gather3A_217 = tpu.vector_load_idx %arg15[%add3A_216] : memref<3072xf32, #tpu.memory_space<vmem>>[vector<16xi32>], vector<16xf32>,
        %mul3A_218 = arith.constant 192 : i32
        %mul3A_219 = arith.muli %scan3A_43, %mul3A_218 : i32
        %add3A_220 = arith.constant 176 : i32
        %add3A_221 = arith.addi %mul3A_219, %add3A_220 : i32
        %swap3A_222 = arith.index_cast %add3A_221 : i32 to index
        %swap3A_223 = tpu.vector_load %arg16[%swap3A_222] {strides = array<i32>} : memref<3072xf32, #tpu.memory_space<vmem>>, vector<16xf32>,
        tpu.vector_store %arg16[%swap3A_222], %gather3A_217 {strides = array<i32>} : memref<3072xf32, #tpu.memory_space<vmem>>, vector<16xf32>,
      }
      %scan3A_40 = arith.constant 16 : i32
      %mul3A_41 = arith.constant 192 : i32
      %mul3A_42 = arith.muli %add3A_12, %mul3A_41 : i32
      "tpu.region"() ({
        %run_scoped3A = tpu.sem_alloc : memref<!tpu.dma_semaphore, #tpu.memory_space<semaphore_mem>>
        %dma_start3A = tpu.memref_slice %arg7[%mul3A_42] : memref<12582912xf32, #tpu.memory_space<hbm>> -> memref<3072xf32, #tpu.memory_space<hbm>>
        %dma_start3A_43 = tpu.memref_slice %arg7[%mul3A_42] : memref<12582912xf32, #tpu.memory_space<hbm>> -> memref<3072xf32, #tpu.memory_space<hbm>>
        tpu.enqueue_dma source(%arg16 : memref<3072xf32, #tpu.memory_space<vmem>>) target(%dma_start3A_43 : memref<3072xf32, #tpu.memory_space<hbm>>) target_semaphore(%run_scoped3A : memref<!tpu.dma_semaphore, #tpu.memory_space<semaphore_mem>>)
        %dma_wait3A = tpu.memref_slice %arg7[%mul3A_42] : memref<12582912xf32, #tpu.memory_space<hbm>> -> memref<3072xf32, #tpu.memory_space<hbm>>
        %dma_wait3A_44 = tpu.memref_slice %arg7[%mul3A_42] : memref<12582912xf32, #tpu.memory_space<hbm>> -> memref<3072xf32, #tpu.memory_space<hbm>>
        tpu.wait_dma2 semaphore(%run_scoped3A : memref<!tpu.dma_semaphore, #tpu.memory_space<semaphore_mem>>) src(%arg16 : memref<3072xf32, #tpu.memory_space<vmem>>) dst(%dma_wait3A_44 : memref<3072xf32, #tpu.memory_space<hbm>>)
        tpu.yield
      }) : () -> ()
    }
    %scan3A_6 = arith.constant 2 : i32
    return
  }
}

module attributes {stable_mosaic.version = 14 : i64} {
  func.func @_body_alias(%arg0: i32, %arg1: memref<1x3xf32, #tpu.memory_space<vmem>>, %arg2: memref<1024x128xf32, #tpu.memory_space<vmem>>, %arg3: memref<1024x128xf32, #tpu.memory_space<vmem>>, %arg4: memref<1024x3xf32, #tpu.memory_space<vmem>>, %arg5: memref<1024x64xf32, #tpu.memory_space<vmem>>, %arg6: memref<8x192xf32, #tpu.memory_space<vmem>>, %arg7: memref<1024x192xf32, #tpu.memory_space<vmem>>) attributes {dimension_semantics = [#tpu.dimension_semantics<arbitrary>], iteration_bounds = array<i64: 63>, scalar_prefetch = 0 : i64, scratch_operands = 0 : i64, tpu.core_type = #tpu.core_type<tc>, window_params = [{pipeline_mode = #tpu.pipeline_mode<synchronous>, transform_indices = @transform_0, window_bounds = array<i64: 1, 3>}, {transform_indices = @transform_1, window_bounds = array<i64: 1024, 128>}, {transform_indices = @transform_2, window_bounds = array<i64: 1024, 128>}, {transform_indices = @transform_3, window_bounds = array<i64: 1024, 3>}, {transform_indices = @transform_4, window_bounds = array<i64: 1024, 64>}, {transform_indices = @transform_5, window_bounds = array<i64: 8, 192>}, {transform_indices = @transform_6, window_bounds = array<i64: 1024, 192>}]} {
    %get3A = arith.constant 0 : index
    %get3A_0 = arith.constant 0 : index
    %get3A_1 = vector.load %arg2[%get3A, %get3A_0] : memref<1024x128xf32, #tpu.memory_space<vmem>>, vector<1024x128xf32>
    %get3A_2 = arith.constant 0 : index
    %get3A_3 = arith.constant 0 : index
    %get3A_4 = vector.load %arg3[%get3A_2, %get3A_3] : memref<1024x128xf32, #tpu.memory_space<vmem>>, vector<1024x128xf32>
    %get3A_5 = arith.constant 0 : index
    %get3A_6 = arith.constant 0 : index
    %get3A_7 = vector.load %arg5[%get3A_5, %get3A_6] : memref<1024x64xf32, #tpu.memory_space<vmem>>, vector<1024x64xf32>
    %sub3A = arith.constant 1.000000e+00 : f32
    %sub3A_8 = vector.broadcast %sub3A : f32 to vector<1024x128xf32>
    %sub3A_9 = arith.subf %sub3A_8, %get3A_4 : vector<1024x128xf32>
    %log3A = math.log %sub3A_9 : vector<1024x128xf32>
    %iota3A = tpu.iota {dimensions = array<i32: 0>} : vector<128x128xi32>
    %iota3A_10 = tpu.iota {dimensions = array<i32: 1>} : vector<128x128xi32>
    %lt3A = arith.cmpi slt, %iota3A, %iota3A_10 : vector<128x128xi32>
    %convert_element_type3A = arith.extui %lt3A : vector<128x128xi1> to vector<128x128xi32>
    %convert_element_type3A_11 = arith.sitofp %convert_element_type3A : vector<128x128xi32> to vector<128x128xf32>
    %dot_general3A = arith.constant dense<0.000000e+00> : vector<1024x128xf32>
    %dot_general3A_12 = tpu.matmul %log3A, %convert_element_type3A_11, %dot_general3A {dimension_numbers = #tpu.dot_dimension_numbers<[1], [0], [0], [1], [0, 0, 1, 1], [], []>, precision = #tpu.contract_precision<fp32>, transpose_lhs_hint = false} : vector<1024x128xf32>, vector<128x128xf32>, vector<1024x128xf32> -> vector<1024x128xf32>
    %exp3A = math.exp %dot_general3A_12 : vector<1024x128xf32>
    %slice3A = vector.extract_strided_slice %get3A_1 {offsets = [0, 127], sizes = [1024, 1], strides = [1, 1]} : vector<1024x128xf32> to vector<1024x1xf32>
    %sub3A_13 = arith.constant 1.000000e+00 : f32
    %sub3A_14 = vector.broadcast %sub3A_13 : f32 to vector<1024x128xf32>
    %sub3A_15 = arith.subf %sub3A_14, %exp3A : vector<1024x128xf32>
    %mul3A = arith.constant 8.000000e-01 : f32
    %mul3A_16 = vector.broadcast %mul3A : f32 to vector<1024x128xf32>
    %mul3A_17 = arith.mulf %mul3A_16, %sub3A_15 : vector<1024x128xf32>
    %div3A = vector.broadcast %slice3A : vector<1024x1xf32> to vector<1024x128xf32>
    %div3A_18 = arith.divf %get3A_1, %div3A : vector<1024x128xf32>
    %mul3A_19 = arith.constant 2.000000e-01 : f32
    %mul3A_20 = vector.broadcast %mul3A_19 : f32 to vector<1024x128xf32>
    %mul3A_21 = arith.mulf %mul3A_20, %div3A_18 : vector<1024x128xf32>
    %add3A = arith.addf %mul3A_17, %mul3A_21 : vector<1024x128xf32>
    %slice3A_22 = vector.extract_strided_slice %add3A {offsets = [0, 127], sizes = [1024, 1], strides = [1, 1]} : vector<1024x128xf32> to vector<1024x1xf32>
    %div3A_23 = vector.broadcast %slice3A_22 : vector<1024x1xf32> to vector<1024x128xf32>
    %div3A_24 = arith.divf %add3A, %div3A_23 : vector<1024x128xf32>
    %iota3A_25 = tpu.iota {dimensions = array<i32: 1>} : vector<1024x64xi32>
    %convert_element_type3A_26 = arith.sitofp %iota3A_25 : vector<1024x64xi32> to vector<1024x64xf32>
    %add3A_27 = arith.constant 1.000000e+00 : f32
    %add3A_28 = vector.broadcast %add3A_27 : f32 to vector<1024x64xf32>
    %add3A_29 = arith.addf %convert_element_type3A_26, %add3A_28 : vector<1024x64xf32>
    %mul3A_30 = arith.constant 1.562500e-02 : f32
    %mul3A_31 = vector.broadcast %mul3A_30 : f32 to vector<1024x64xf32>
    %mul3A_32 = arith.mulf %add3A_29, %mul3A_31 : vector<1024x64xf32>
    %mul3A_33 = arith.constant 1.562500e-02 : f32
    %mul3A_34 = vector.broadcast %mul3A_33 : f32 to vector<1024x64xf32>
    %mul3A_35 = arith.mulf %get3A_7, %mul3A_34 : vector<1024x64xf32>
    %sub3A_36 = arith.subf %mul3A_32, %mul3A_35 : vector<1024x64xf32>
    %broadcast_in_dim3A = arith.constant 0 : i32
    %broadcast_in_dim3A_37 = vector.broadcast %broadcast_in_dim3A : i32 to vector<1024x64xi32>
    %add3A_38 = arith.constant 63 : i32
    %add3A_39 = vector.broadcast %add3A_38 : i32 to vector<1024x64xi32>
    %add3A_40 = arith.addi %broadcast_in_dim3A_37, %add3A_39 : vector<1024x64xi32>
    %lt3A_41 = arith.constant 0 : i32
    %lt3A_42 = vector.broadcast %lt3A_41 : i32 to vector<1024x64xi32>
    %lt3A_43 = arith.cmpi slt, %add3A_40, %lt3A_42 : vector<1024x64xi32>
    %add3A_44 = arith.constant 128 : i32
    %add3A_45 = vector.broadcast %add3A_44 : i32 to vector<1024x64xi32>
    %add3A_46 = arith.addi %add3A_40, %add3A_45 : vector<1024x64xi32>
    %select_n3A = arith.select %lt3A_43, %add3A_46, %add3A_40 : vector<1024x64xi1>, vector<1024x64xi32>
    %reshape3A = vector.shape_cast %select_n3A : vector<1024x64xi32> to vector<1024x64x1xi32>
    %gather3A = vector.shape_cast %reshape3A : vector<1024x64x1xi32> to vector<1024x64xi32>
    %gather3A_47 = tpu.dynamic_gather %div3A_24[%gather3A] in [1] : vector<1024x128xf32>, vector<1024x64xi32> -> vector<1024x64xf32>
    %le3A = arith.cmpf ole, %gather3A_47, %sub3A_36 : vector<1024x64xf32>
    %jit3A = arith.constant 64 : i32
    %jit3A_48 = arith.constant 0 : i32
    %broadcast_in_dim3A_49 = vector.broadcast %jit3A : i32 to vector<1024x64xi32>
    %broadcast_in_dim3A_50 = vector.broadcast %jit3A_48 : i32 to vector<1024x64xi32>
    %select_n3A_51 = arith.select %le3A, %broadcast_in_dim3A_49, %broadcast_in_dim3A_50 : vector<1024x64xi1>, vector<1024x64xi32>
    %add3A_52 = arith.addi %broadcast_in_dim3A_37, %select_n3A_51 : vector<1024x64xi32>
    %add3A_53 = arith.constant 31 : i32
    %add3A_54 = vector.broadcast %add3A_53 : i32 to vector<1024x64xi32>
    %add3A_55 = arith.addi %add3A_52, %add3A_54 : vector<1024x64xi32>
    %lt3A_56 = arith.constant 0 : i32
    %lt3A_57 = vector.broadcast %lt3A_56 : i32 to vector<1024x64xi32>
    %lt3A_58 = arith.cmpi slt, %add3A_55, %lt3A_57 : vector<1024x64xi32>
    %add3A_59 = arith.constant 128 : i32
    %add3A_60 = vector.broadcast %add3A_59 : i32 to vector<1024x64xi32>
    %add3A_61 = arith.addi %add3A_55, %add3A_60 : vector<1024x64xi32>
    %select_n3A_62 = arith.select %lt3A_58, %add3A_61, %add3A_55 : vector<1024x64xi1>, vector<1024x64xi32>
    %reshape3A_63 = vector.shape_cast %select_n3A_62 : vector<1024x64xi32> to vector<1024x64x1xi32>
    %gather3A_64 = vector.shape_cast %reshape3A_63 : vector<1024x64x1xi32> to vector<1024x64xi32>
    %gather3A_65 = tpu.dynamic_gather %div3A_24[%gather3A_64] in [1] : vector<1024x128xf32>, vector<1024x64xi32> -> vector<1024x64xf32>
    %le3A_66 = arith.cmpf ole, %gather3A_65, %sub3A_36 : vector<1024x64xf32>
    %jit3A_67 = arith.constant 32 : i32
    %jit3A_68 = arith.constant 0 : i32
    %broadcast_in_dim3A_69 = vector.broadcast %jit3A_67 : i32 to vector<1024x64xi32>
    %broadcast_in_dim3A_70 = vector.broadcast %jit3A_68 : i32 to vector<1024x64xi32>
    %select_n3A_71 = arith.select %le3A_66, %broadcast_in_dim3A_69, %broadcast_in_dim3A_70 : vector<1024x64xi1>, vector<1024x64xi32>
    %add3A_72 = arith.addi %add3A_52, %select_n3A_71 : vector<1024x64xi32>
    %add3A_73 = arith.constant 15 : i32
    %add3A_74 = vector.broadcast %add3A_73 : i32 to vector<1024x64xi32>
    %add3A_75 = arith.addi %add3A_72, %add3A_74 : vector<1024x64xi32>
    %lt3A_76 = arith.constant 0 : i32
    %lt3A_77 = vector.broadcast %lt3A_76 : i32 to vector<1024x64xi32>
    %lt3A_78 = arith.cmpi slt, %add3A_75, %lt3A_77 : vector<1024x64xi32>
    %add3A_79 = arith.constant 128 : i32
    %add3A_80 = vector.broadcast %add3A_79 : i32 to vector<1024x64xi32>
    %add3A_81 = arith.addi %add3A_75, %add3A_80 : vector<1024x64xi32>
    %select_n3A_82 = arith.select %lt3A_78, %add3A_81, %add3A_75 : vector<1024x64xi1>, vector<1024x64xi32>
    %reshape3A_83 = vector.shape_cast %select_n3A_82 : vector<1024x64xi32> to vector<1024x64x1xi32>
    %gather3A_84 = vector.shape_cast %reshape3A_83 : vector<1024x64x1xi32> to vector<1024x64xi32>
    %gather3A_85 = tpu.dynamic_gather %div3A_24[%gather3A_84] in [1] : vector<1024x128xf32>, vector<1024x64xi32> -> vector<1024x64xf32>
    %le3A_86 = arith.cmpf ole, %gather3A_85, %sub3A_36 : vector<1024x64xf32>
    %jit3A_87 = arith.constant 16 : i32
    %jit3A_88 = arith.constant 0 : i32
    %broadcast_in_dim3A_89 = vector.broadcast %jit3A_87 : i32 to vector<1024x64xi32>
    %broadcast_in_dim3A_90 = vector.broadcast %jit3A_88 : i32 to vector<1024x64xi32>
    %select_n3A_91 = arith.select %le3A_86, %broadcast_in_dim3A_89, %broadcast_in_dim3A_90 : vector<1024x64xi1>, vector<1024x64xi32>
    %add3A_92 = arith.addi %add3A_72, %select_n3A_91 : vector<1024x64xi32>
    %add3A_93 = arith.constant 7 : i32
    %add3A_94 = vector.broadcast %add3A_93 : i32 to vector<1024x64xi32>
    %add3A_95 = arith.addi %add3A_92, %add3A_94 : vector<1024x64xi32>
    %lt3A_96 = arith.constant 0 : i32
    %lt3A_97 = vector.broadcast %lt3A_96 : i32 to vector<1024x64xi32>
    %lt3A_98 = arith.cmpi slt, %add3A_95, %lt3A_97 : vector<1024x64xi32>
    %add3A_99 = arith.constant 128 : i32
    %add3A_100 = vector.broadcast %add3A_99 : i32 to vector<1024x64xi32>
    %add3A_101 = arith.addi %add3A_95, %add3A_100 : vector<1024x64xi32>
    %select_n3A_102 = arith.select %lt3A_98, %add3A_101, %add3A_95 : vector<1024x64xi1>, vector<1024x64xi32>
    %reshape3A_103 = vector.shape_cast %select_n3A_102 : vector<1024x64xi32> to vector<1024x64x1xi32>
    %gather3A_104 = vector.shape_cast %reshape3A_103 : vector<1024x64x1xi32> to vector<1024x64xi32>
    %gather3A_105 = tpu.dynamic_gather %div3A_24[%gather3A_104] in [1] : vector<1024x128xf32>, vector<1024x64xi32> -> vector<1024x64xf32>
    %le3A_106 = arith.cmpf ole, %gather3A_105, %sub3A_36 : vector<1024x64xf32>
    %jit3A_107 = arith.constant 8 : i32
    %jit3A_108 = arith.constant 0 : i32
    %broadcast_in_dim3A_109 = vector.broadcast %jit3A_107 : i32 to vector<1024x64xi32>
    %broadcast_in_dim3A_110 = vector.broadcast %jit3A_108 : i32 to vector<1024x64xi32>
    %select_n3A_111 = arith.select %le3A_106, %broadcast_in_dim3A_109, %broadcast_in_dim3A_110 : vector<1024x64xi1>, vector<1024x64xi32>
    %add3A_112 = arith.addi %add3A_92, %select_n3A_111 : vector<1024x64xi32>
    %add3A_113 = arith.constant 3 : i32
    %add3A_114 = vector.broadcast %add3A_113 : i32 to vector<1024x64xi32>
    %add3A_115 = arith.addi %add3A_112, %add3A_114 : vector<1024x64xi32>
    %lt3A_116 = arith.constant 0 : i32
    %lt3A_117 = vector.broadcast %lt3A_116 : i32 to vector<1024x64xi32>
    %lt3A_118 = arith.cmpi slt, %add3A_115, %lt3A_117 : vector<1024x64xi32>
    %add3A_119 = arith.constant 128 : i32
    %add3A_120 = vector.broadcast %add3A_119 : i32 to vector<1024x64xi32>
    %add3A_121 = arith.addi %add3A_115, %add3A_120 : vector<1024x64xi32>
    %select_n3A_122 = arith.select %lt3A_118, %add3A_121, %add3A_115 : vector<1024x64xi1>, vector<1024x64xi32>
    %reshape3A_123 = vector.shape_cast %select_n3A_122 : vector<1024x64xi32> to vector<1024x64x1xi32>
    %gather3A_124 = vector.shape_cast %reshape3A_123 : vector<1024x64x1xi32> to vector<1024x64xi32>
    %gather3A_125 = tpu.dynamic_gather %div3A_24[%gather3A_124] in [1] : vector<1024x128xf32>, vector<1024x64xi32> -> vector<1024x64xf32>
    %le3A_126 = arith.cmpf ole, %gather3A_125, %sub3A_36 : vector<1024x64xf32>
    %jit3A_127 = arith.constant 4 : i32
    %jit3A_128 = arith.constant 0 : i32
    %broadcast_in_dim3A_129 = vector.broadcast %jit3A_127 : i32 to vector<1024x64xi32>
    %broadcast_in_dim3A_130 = vector.broadcast %jit3A_128 : i32 to vector<1024x64xi32>
    %select_n3A_131 = arith.select %le3A_126, %broadcast_in_dim3A_129, %broadcast_in_dim3A_130 : vector<1024x64xi1>, vector<1024x64xi32>
    %add3A_132 = arith.addi %add3A_112, %select_n3A_131 : vector<1024x64xi32>
    %add3A_133 = arith.constant 1 : i32
    %add3A_134 = vector.broadcast %add3A_133 : i32 to vector<1024x64xi32>
    %add3A_135 = arith.addi %add3A_132, %add3A_134 : vector<1024x64xi32>
    %lt3A_136 = arith.constant 0 : i32
    %lt3A_137 = vector.broadcast %lt3A_136 : i32 to vector<1024x64xi32>
    %lt3A_138 = arith.cmpi slt, %add3A_135, %lt3A_137 : vector<1024x64xi32>
    %add3A_139 = arith.constant 128 : i32
    %add3A_140 = vector.broadcast %add3A_139 : i32 to vector<1024x64xi32>
    %add3A_141 = arith.addi %add3A_135, %add3A_140 : vector<1024x64xi32>
    %select_n3A_142 = arith.select %lt3A_138, %add3A_141, %add3A_135 : vector<1024x64xi1>, vector<1024x64xi32>
    %reshape3A_143 = vector.shape_cast %select_n3A_142 : vector<1024x64xi32> to vector<1024x64x1xi32>
    %gather3A_144 = vector.shape_cast %reshape3A_143 : vector<1024x64x1xi32> to vector<1024x64xi32>
    %gather3A_145 = tpu.dynamic_gather %div3A_24[%gather3A_144] in [1] : vector<1024x128xf32>, vector<1024x64xi32> -> vector<1024x64xf32>
    %le3A_146 = arith.cmpf ole, %gather3A_145, %sub3A_36 : vector<1024x64xf32>
    %jit3A_147 = arith.constant 2 : i32
    %jit3A_148 = arith.constant 0 : i32
    %broadcast_in_dim3A_149 = vector.broadcast %jit3A_147 : i32 to vector<1024x64xi32>
    %broadcast_in_dim3A_150 = vector.broadcast %jit3A_148 : i32 to vector<1024x64xi32>
    %select_n3A_151 = arith.select %le3A_146, %broadcast_in_dim3A_149, %broadcast_in_dim3A_150 : vector<1024x64xi1>, vector<1024x64xi32>
    %add3A_152 = arith.addi %add3A_132, %select_n3A_151 : vector<1024x64xi32>
    %add3A_153 = arith.constant 0 : i32
    %add3A_154 = vector.broadcast %add3A_153 : i32 to vector<1024x64xi32>
    %add3A_155 = arith.addi %add3A_152, %add3A_154 : vector<1024x64xi32>
    %lt3A_156 = arith.constant 0 : i32
    %lt3A_157 = vector.broadcast %lt3A_156 : i32 to vector<1024x64xi32>
    %lt3A_158 = arith.cmpi slt, %add3A_155, %lt3A_157 : vector<1024x64xi32>
    %add3A_159 = arith.constant 128 : i32
    %add3A_160 = vector.broadcast %add3A_159 : i32 to vector<1024x64xi32>
    %add3A_161 = arith.addi %add3A_155, %add3A_160 : vector<1024x64xi32>
    %select_n3A_162 = arith.select %lt3A_158, %add3A_161, %add3A_155 : vector<1024x64xi1>, vector<1024x64xi32>
    %reshape3A_163 = vector.shape_cast %select_n3A_162 : vector<1024x64xi32> to vector<1024x64x1xi32>
    %gather3A_164 = vector.shape_cast %reshape3A_163 : vector<1024x64x1xi32> to vector<1024x64xi32>
    %gather3A_165 = tpu.dynamic_gather %div3A_24[%gather3A_164] in [1] : vector<1024x128xf32>, vector<1024x64xi32> -> vector<1024x64xf32>
    %le3A_166 = arith.cmpf ole, %gather3A_165, %sub3A_36 : vector<1024x64xf32>
    %jit3A_167 = arith.constant 1 : i32
    %jit3A_168 = arith.constant 0 : i32
    %broadcast_in_dim3A_169 = vector.broadcast %jit3A_167 : i32 to vector<1024x64xi32>
    %broadcast_in_dim3A_170 = vector.broadcast %jit3A_168 : i32 to vector<1024x64xi32>
    %select_n3A_171 = arith.select %le3A_166, %broadcast_in_dim3A_169, %broadcast_in_dim3A_170 : vector<1024x64xi1>, vector<1024x64xi32>
    %add3A_172 = arith.addi %add3A_152, %select_n3A_171 : vector<1024x64xi32>
    %eq3A = arith.constant 127 : i32
    %eq3A_173 = vector.broadcast %eq3A : i32 to vector<1024x64xi32>
    %eq3A_174 = arith.cmpi eq, %add3A_172, %eq3A_173 : vector<1024x64xi32>
    %ge3A = arith.constant 1.000000e+00 : f32
    %ge3A_175 = vector.broadcast %ge3A : f32 to vector<1024x64xf32>
    %ge3A_176 = arith.cmpf oge, %sub3A_36, %ge3A_175 : vector<1024x64xf32>
    %and3A = arith.andi %eq3A_174, %ge3A_176 : vector<1024x64xi1>
    %convert_element_type3A_177 = arith.extui %and3A : vector<1024x64xi1> to vector<1024x64xi32>
    %add3A_178 = arith.addi %add3A_172, %convert_element_type3A_177 : vector<1024x64xi32>
    %sub3A_179 = arith.constant 1 : i32
    %sub3A_180 = vector.broadcast %sub3A_179 : i32 to vector<1024x64xi32>
    %sub3A_181 = arith.subi %add3A_178, %sub3A_180 : vector<1024x64xi32>
    %max3A = arith.constant 0 : i32
    %max3A_182 = vector.broadcast %max3A : i32 to vector<1024x64xi32>
    %max3A_183 = arith.maxsi %sub3A_181, %max3A_182 : vector<1024x64xi32>
    %min3A = arith.constant 127 : i32
    %min3A_184 = vector.broadcast %min3A : i32 to vector<1024x64xi32>
    %min3A_185 = arith.minsi %add3A_178, %min3A_184 : vector<1024x64xi32>
    %eq3A_186 = arith.constant 0 : i32
    %eq3A_187 = vector.broadcast %eq3A_186 : i32 to vector<1024x64xi32>
    %eq3A_188 = arith.cmpi eq, %add3A_178, %eq3A_187 : vector<1024x64xi32>
    %lt3A_189 = arith.constant 0 : i32
    %lt3A_190 = vector.broadcast %lt3A_189 : i32 to vector<1024x64xi32>
    %lt3A_191 = arith.cmpi slt, %max3A_183, %lt3A_190 : vector<1024x64xi32>
    %add3A_192 = arith.constant 128 : i32
    %add3A_193 = vector.broadcast %add3A_192 : i32 to vector<1024x64xi32>
    %add3A_194 = arith.addi %max3A_183, %add3A_193 : vector<1024x64xi32>
    %select_n3A_195 = arith.select %lt3A_191, %add3A_194, %max3A_183 : vector<1024x64xi1>, vector<1024x64xi32>
    %reshape3A_196 = vector.shape_cast %select_n3A_195 : vector<1024x64xi32> to vector<1024x64x1xi32>
    %gather3A_197 = vector.shape_cast %reshape3A_196 : vector<1024x64x1xi32> to vector<1024x64xi32>
    %gather3A_198 = tpu.dynamic_gather %div3A_24[%gather3A_197] in [1] : vector<1024x128xf32>, vector<1024x64xi32> -> vector<1024x64xf32>
    %jit3A_199 = arith.constant -1.000000e+00 : f32
    %broadcast_in_dim3A_200 = vector.broadcast %jit3A_199 : f32 to vector<1024x64xf32>
    %select_n3A_201 = arith.select %eq3A_188, %broadcast_in_dim3A_200, %gather3A_198 : vector<1024x64xi1>, vector<1024x64xf32>
    %ge3A_202 = arith.constant 128 : i32
    %ge3A_203 = vector.broadcast %ge3A_202 : i32 to vector<1024x64xi32>
    %ge3A_204 = arith.cmpi sge, %add3A_178, %ge3A_203 : vector<1024x64xi32>
    %lt3A_205 = arith.constant 0 : i32
    %lt3A_206 = vector.broadcast %lt3A_205 : i32 to vector<1024x64xi32>
    %lt3A_207 = arith.cmpi slt, %min3A_185, %lt3A_206 : vector<1024x64xi32>
    %add3A_208 = arith.constant 128 : i32
    %add3A_209 = vector.broadcast %add3A_208 : i32 to vector<1024x64xi32>
    %add3A_210 = arith.addi %min3A_185, %add3A_209 : vector<1024x64xi32>
    %select_n3A_211 = arith.select %lt3A_207, %add3A_210, %min3A_185 : vector<1024x64xi1>, vector<1024x64xi32>
    %reshape3A_212 = vector.shape_cast %select_n3A_211 : vector<1024x64xi32> to vector<1024x64x1xi32>
    %gather3A_213 = vector.shape_cast %reshape3A_212 : vector<1024x64x1xi32> to vector<1024x64xi32>
    %gather3A_214 = tpu.dynamic_gather %div3A_24[%gather3A_213] in [1] : vector<1024x128xf32>, vector<1024x64xi32> -> vector<1024x64xf32>
    %jit3A_215 = arith.constant 2.000000e+00 : f32
    %broadcast_in_dim3A_216 = vector.broadcast %jit3A_215 : f32 to vector<1024x64xf32>
    %select_n3A_217 = arith.select %ge3A_204, %broadcast_in_dim3A_216, %gather3A_214 : vector<1024x64xi1>, vector<1024x64xf32>
    %lt3A_218 = arith.constant 0 : i32
    %lt3A_219 = vector.broadcast %lt3A_218 : i32 to vector<1024x64xi32>
    %lt3A_220 = arith.cmpi slt, %max3A_183, %lt3A_219 : vector<1024x64xi32>
    %add3A_221 = arith.constant 128 : i32
    %add3A_222 = vector.broadcast %add3A_221 : i32 to vector<1024x64xi32>
    %add3A_223 = arith.addi %max3A_183, %add3A_222 : vector<1024x64xi32>
    %select_n3A_224 = arith.select %lt3A_220, %add3A_223, %max3A_183 : vector<1024x64xi1>, vector<1024x64xi32>
    %reshape3A_225 = vector.shape_cast %select_n3A_224 : vector<1024x64xi32> to vector<1024x64x1xi32>
    %gather3A_226 = vector.shape_cast %reshape3A_225 : vector<1024x64x1xi32> to vector<1024x64xi32>
    %gather3A_227 = tpu.dynamic_gather %get3A_1[%gather3A_226] in [1] : vector<1024x128xf32>, vector<1024x64xi32> -> vector<1024x64xf32>
    %lt3A_228 = arith.constant 0 : i32
    %lt3A_229 = vector.broadcast %lt3A_228 : i32 to vector<1024x64xi32>
    %lt3A_230 = arith.cmpi slt, %min3A_185, %lt3A_229 : vector<1024x64xi32>
    %add3A_231 = arith.constant 128 : i32
    %add3A_232 = vector.broadcast %add3A_231 : i32 to vector<1024x64xi32>
    %add3A_233 = arith.addi %min3A_185, %add3A_232 : vector<1024x64xi32>
    %select_n3A_234 = arith.select %lt3A_230, %add3A_233, %min3A_185 : vector<1024x64xi1>, vector<1024x64xi32>
    %reshape3A_235 = vector.shape_cast %select_n3A_234 : vector<1024x64xi32> to vector<1024x64x1xi32>
    %gather3A_236 = vector.shape_cast %reshape3A_235 : vector<1024x64x1xi32> to vector<1024x64xi32>
    %gather3A_237 = tpu.dynamic_gather %get3A_1[%gather3A_236] in [1] : vector<1024x128xf32>, vector<1024x64xi32> -> vector<1024x64xf32>
    %sub3A_238 = arith.subf %select_n3A_217, %select_n3A_201 : vector<1024x64xf32>
    %gt3A = arith.constant 9.99999997E-7 : f32
    %gt3A_239 = vector.broadcast %gt3A : f32 to vector<1024x64xf32>
    %gt3A_240 = arith.cmpf ogt, %sub3A_238, %gt3A_239 : vector<1024x64xf32>
    %sub3A_241 = arith.subf %sub3A_36, %select_n3A_201 : vector<1024x64xf32>
    %sub3A_242 = arith.subf %gather3A_237, %gather3A_227 : vector<1024x64xf32>
    %mul3A_243 = arith.mulf %sub3A_241, %sub3A_242 : vector<1024x64xf32>
    %jit3A_244 = arith.constant 1.000000e+00 : f32
    %broadcast_in_dim3A_245 = vector.broadcast %jit3A_244 : f32 to vector<1024x64xf32>
    %select_n3A_246 = arith.select %gt3A_240, %sub3A_238, %broadcast_in_dim3A_245 : vector<1024x64xi1>, vector<1024x64xf32>
    %div3A_247 = arith.divf %mul3A_243, %select_n3A_246 : vector<1024x64xf32>
    %jit3A_248 = arith.constant 0.000000e+00 : f32
    %broadcast_in_dim3A_249 = vector.broadcast %jit3A_248 : f32 to vector<1024x64xf32>
    %select_n3A_250 = arith.select %gt3A_240, %div3A_247, %broadcast_in_dim3A_249 : vector<1024x64xi1>, vector<1024x64xf32>
    %add3A_251 = arith.addf %gather3A_227, %select_n3A_250 : vector<1024x64xf32>
    %iota3A_252 = tpu.iota {dimensions = array<i32: 1>} : vector<1024x192xi32>
    %jit3A_253 = arith.constant 3 : i32
    %div3A_254 = vector.broadcast %jit3A_253 : i32 to vector<1024x192xi32>
    %div3A_255 = arith.divsi %iota3A_252, %div3A_254 : vector<1024x192xi32>
    %sign3A = arith.constant 0 : i32
    %sign3A_256 = vector.broadcast %sign3A : i32 to vector<1024x192xi32>
    %sign3A_257 = arith.cmpi sgt, %iota3A_252, %sign3A_256 : vector<1024x192xi32>
    %sign3A_258 = arith.extui %sign3A_257 : vector<1024x192xi1> to vector<1024x192xi32>
    %sign3A_259 = arith.constant 0 : i32
    %sign3A_260 = vector.broadcast %sign3A_259 : i32 to vector<1024x192xi32>
    %sign3A_261 = arith.cmpi slt, %iota3A_252, %sign3A_260 : vector<1024x192xi32>
    %sign3A_262 = arith.extui %sign3A_261 : vector<1024x192xi1> to vector<1024x192xi32>
    %sign3A_263 = arith.subi %sign3A_258, %sign3A_262 : vector<1024x192xi32>
    %sign3A_264 = arith.constant 0 : i32
    %sign3A_265 = arith.cmpi sgt, %jit3A_253, %sign3A_264 : i32
    %sign3A_266 = arith.extui %sign3A_265 : i1 to i32
    %sign3A_267 = arith.constant 0 : i32
    %sign3A_268 = arith.cmpi slt, %jit3A_253, %sign3A_267 : i32
    %sign3A_269 = arith.extui %sign3A_268 : i1 to i32
    %sign3A_270 = arith.subi %sign3A_266, %sign3A_269 : i32
    %ne3A = vector.broadcast %sign3A_270 : i32 to vector<1024x192xi32>
    %ne3A_271 = arith.cmpi ne, %sign3A_263, %ne3A : vector<1024x192xi32>
    %rem3A = vector.broadcast %jit3A_253 : i32 to vector<1024x192xi32>
    %rem3A_272 = arith.remsi %iota3A_252, %rem3A : vector<1024x192xi32>
    %ne3A_273 = arith.constant 0 : i32
    %ne3A_274 = vector.broadcast %ne3A_273 : i32 to vector<1024x192xi32>
    %ne3A_275 = arith.cmpi ne, %rem3A_272, %ne3A_274 : vector<1024x192xi32>
    %and3A_276 = arith.andi %ne3A_271, %ne3A_275 : vector<1024x192xi1>
    %sub3A_277 = arith.constant 1 : i32
    %sub3A_278 = vector.broadcast %sub3A_277 : i32 to vector<1024x192xi32>
    %sub3A_279 = arith.subi %div3A_255, %sub3A_278 : vector<1024x192xi32>
    %select_n3A_280 = arith.select %and3A_276, %sub3A_279, %div3A_255 : vector<1024x192xi1>, vector<1024x192xi32>
    %mul3A_281 = arith.constant 3 : i32
    %mul3A_282 = vector.broadcast %mul3A_281 : i32 to vector<1024x192xi32>
    %mul3A_283 = arith.muli %select_n3A_280, %mul3A_282 : vector<1024x192xi32>
    %sub3A_284 = arith.subi %iota3A_252, %mul3A_283 : vector<1024x192xi32>
    %jit3A_285 = arith.constant 3 : i32
    %div3A_286 = vector.broadcast %jit3A_285 : i32 to vector<1024x192xi32>
    %div3A_287 = arith.divsi %iota3A_252, %div3A_286 : vector<1024x192xi32>
    %sign3A_288 = arith.constant 0 : i32
    %sign3A_289 = vector.broadcast %sign3A_288 : i32 to vector<1024x192xi32>
    %sign3A_290 = arith.cmpi sgt, %iota3A_252, %sign3A_289 : vector<1024x192xi32>
    %sign3A_291 = arith.extui %sign3A_290 : vector<1024x192xi1> to vector<1024x192xi32>
    %sign3A_292 = arith.constant 0 : i32
    %sign3A_293 = vector.broadcast %sign3A_292 : i32 to vector<1024x192xi32>
    %sign3A_294 = arith.cmpi slt, %iota3A_252, %sign3A_293 : vector<1024x192xi32>
    %sign3A_295 = arith.extui %sign3A_294 : vector<1024x192xi1> to vector<1024x192xi32>
    %sign3A_296 = arith.subi %sign3A_291, %sign3A_295 : vector<1024x192xi32>
    %sign3A_297 = arith.constant 0 : i32
    %sign3A_298 = arith.cmpi sgt, %jit3A_285, %sign3A_297 : i32
    %sign3A_299 = arith.extui %sign3A_298 : i1 to i32
    %sign3A_300 = arith.constant 0 : i32
    %sign3A_301 = arith.cmpi slt, %jit3A_285, %sign3A_300 : i32
    %sign3A_302 = arith.extui %sign3A_301 : i1 to i32
    %sign3A_303 = arith.subi %sign3A_299, %sign3A_302 : i32
    %ne3A_304 = vector.broadcast %sign3A_303 : i32 to vector<1024x192xi32>
    %ne3A_305 = arith.cmpi ne, %sign3A_296, %ne3A_304 : vector<1024x192xi32>
    %rem3A_306 = vector.broadcast %jit3A_285 : i32 to vector<1024x192xi32>
    %rem3A_307 = arith.remsi %iota3A_252, %rem3A_306 : vector<1024x192xi32>
    %ne3A_308 = arith.constant 0 : i32
    %ne3A_309 = vector.broadcast %ne3A_308 : i32 to vector<1024x192xi32>
    %ne3A_310 = arith.cmpi ne, %rem3A_307, %ne3A_309 : vector<1024x192xi32>
    %and3A_311 = arith.andi %ne3A_305, %ne3A_310 : vector<1024x192xi1>
    %sub3A_312 = arith.constant 1 : i32
    %sub3A_313 = vector.broadcast %sub3A_312 : i32 to vector<1024x192xi32>
    %sub3A_314 = arith.subi %div3A_287, %sub3A_313 : vector<1024x192xi32>
    %select_n3A_315 = arith.select %and3A_311, %sub3A_314, %div3A_287 : vector<1024x192xi1>, vector<1024x192xi32>
    %lt3A_316 = arith.constant 0 : i32
    %lt3A_317 = vector.broadcast %lt3A_316 : i32 to vector<1024x192xi32>
    %lt3A_318 = arith.cmpi slt, %select_n3A_315, %lt3A_317 : vector<1024x192xi32>
    %add3A_319 = arith.constant 64 : i32
    %add3A_320 = vector.broadcast %add3A_319 : i32 to vector<1024x192xi32>
    %add3A_321 = arith.addi %select_n3A_315, %add3A_320 : vector<1024x192xi32>
    %select_n3A_322 = arith.select %lt3A_318, %add3A_321, %select_n3A_315 : vector<1024x192xi1>, vector<1024x192xi32>
    %reshape3A_323 = vector.shape_cast %select_n3A_322 : vector<1024x192xi32> to vector<1024x192x1xi32>
    %gather3A_324 = vector.shape_cast %reshape3A_323 : vector<1024x192x1xi32> to vector<1024x192xi32>
    %gather3A_325 = tpu.dynamic_gather %add3A_251[%gather3A_324] in [1] : vector<1024x64xf32>, vector<1024x192xi32> -> vector<1024x192xf32>
    %get3A_326 = arith.constant 0 : index
    %get3A_327 = arith.constant 0 : index
    %get3A_328 = vector.load %arg4[%get3A_326, %get3A_327] : memref<1024x3xf32, #tpu.memory_space<vmem>>, vector<1024x3xf32>
    %get3A_329 = arith.constant 0 : index
    %get3A_330 = arith.constant 0 : index
    %get3A_331 = vector.load %arg1[%get3A_329, %get3A_330] : memref<1x3xf32, #tpu.memory_space<vmem>>, vector<1x1xf32>
    %get3A_332 = vector.extract %get3A_331[0, 0] : f32 from vector<1x1xf32>
    %slice3A_333 = vector.extract_strided_slice %get3A_328 {offsets = [0, 0], sizes = [1024, 1], strides = [1, 1]} : vector<1024x3xf32> to vector<1024x1xf32>
    %mul3A_334 = vector.broadcast %slice3A_333 : vector<1024x1xf32> to vector<1024x192xf32>
    %mul3A_335 = arith.mulf %gather3A_325, %mul3A_334 : vector<1024x192xf32>
    %add3A_336 = vector.broadcast %get3A_332 : f32 to vector<1024x192xf32>
    %add3A_337 = arith.addf %add3A_336, %mul3A_335 : vector<1024x192xf32>
    %get3A_338 = arith.constant 0 : index
    %get3A_339 = arith.constant 1 : index
    %get3A_340 = vector.load %arg1[%get3A_338, %get3A_339] : memref<1x3xf32, #tpu.memory_space<vmem>>, vector<1x1xf32>
    %get3A_341 = vector.extract %get3A_340[0, 0] : f32 from vector<1x1xf32>
    %slice3A_342 = vector.extract_strided_slice %get3A_328 {offsets = [0, 1], sizes = [1024, 1], strides = [1, 1]} : vector<1024x3xf32> to vector<1024x1xf32>
    %mul3A_343 = vector.broadcast %slice3A_342 : vector<1024x1xf32> to vector<1024x192xf32>
    %mul3A_344 = arith.mulf %gather3A_325, %mul3A_343 : vector<1024x192xf32>
    %add3A_345 = vector.broadcast %get3A_341 : f32 to vector<1024x192xf32>
    %add3A_346 = arith.addf %add3A_345, %mul3A_344 : vector<1024x192xf32>
    %get3A_347 = arith.constant 0 : index
    %get3A_348 = arith.constant 2 : index
    %get3A_349 = vector.load %arg1[%get3A_347, %get3A_348] : memref<1x3xf32, #tpu.memory_space<vmem>>, vector<1x1xf32>
    %get3A_350 = vector.extract %get3A_349[0, 0] : f32 from vector<1x1xf32>
    %slice3A_351 = vector.extract_strided_slice %get3A_328 {offsets = [0, 2], sizes = [1024, 1], strides = [1, 1]} : vector<1024x3xf32> to vector<1024x1xf32>
    %mul3A_352 = vector.broadcast %slice3A_351 : vector<1024x1xf32> to vector<1024x192xf32>
    %mul3A_353 = arith.mulf %gather3A_325, %mul3A_352 : vector<1024x192xf32>
    %add3A_354 = vector.broadcast %get3A_350 : f32 to vector<1024x192xf32>
    %add3A_355 = arith.addf %add3A_354, %mul3A_353 : vector<1024x192xf32>
    %eq3A_356 = arith.constant 0 : i32
    %eq3A_357 = vector.broadcast %eq3A_356 : i32 to vector<1024x192xi32>
    %eq3A_358 = arith.cmpi eq, %sub3A_284, %eq3A_357 : vector<1024x192xi32>
    %eq3A_359 = arith.constant 1 : i32
    %eq3A_360 = vector.broadcast %eq3A_359 : i32 to vector<1024x192xi32>
    %eq3A_361 = arith.cmpi eq, %sub3A_284, %eq3A_360 : vector<1024x192xi32>
    %select_n3A_362 = arith.select %eq3A_361, %add3A_346, %add3A_355 : vector<1024x192xi1>, vector<1024x192xf32>
    %select_n3A_363 = arith.select %eq3A_358, %add3A_337, %select_n3A_362 : vector<1024x192xi1>, vector<1024x192xf32>
    %swap3A = arith.constant 0 : index
    %swap3A_364 = arith.constant 0 : index
    %swap3A_365 = vector.load %arg7[%swap3A, %swap3A_364] : memref<1024x192xf32, #tpu.memory_space<vmem>>, vector<1024x192xf32>
    tpu.vector_store %arg7[%swap3A, %swap3A_364], %select_n3A_363 {strides = array<i32>} : memref<1024x192xf32, #tpu.memory_space<vmem>>, vector<1024x192xf32>,
    return
  }
  func.func @transform_0(%arg0: i32) -> (i32, i32) {
    %c0_i32 = arith.constant 0 : i32
    %c0_i32_0 = arith.constant 0 : i32
    %c0_i32_1 = arith.constant 0 : i32
    return %c0_i32, %c0_i32_0 : i32, i32
  }
  func.func @transform_1(%arg0: i32) -> (i32, i32) {
    %add3A = arith.constant 1 : i32
    %add3A_0 = arith.addi %arg0, %add3A : i32
    %c0_i32 = arith.constant 0 : i32
    %c0_i32_1 = arith.constant 0 : i32
    return %add3A_0, %c0_i32 : i32, i32
  }
  func.func @transform_2(%arg0: i32) -> (i32, i32) {
    %add3A = arith.constant 1 : i32
    %add3A_0 = arith.addi %arg0, %add3A : i32
    %c0_i32 = arith.constant 0 : i32
    %c0_i32_1 = arith.constant 0 : i32
    return %add3A_0, %c0_i32 : i32, i32
  }
  func.func @transform_3(%arg0: i32) -> (i32, i32) {
    %add3A = arith.constant 1 : i32
    %add3A_0 = arith.addi %arg0, %add3A : i32
    %c0_i32 = arith.constant 0 : i32
    %c0_i32_1 = arith.constant 0 : i32
    return %add3A_0, %c0_i32 : i32, i32
  }
  func.func @transform_4(%arg0: i32) -> (i32, i32) {
    %add3A = arith.constant 1 : i32
    %add3A_0 = arith.addi %arg0, %add3A : i32
    %c0_i32 = arith.constant 0 : i32
    %c0_i32_1 = arith.constant 0 : i32
    return %add3A_0, %c0_i32 : i32, i32
  }
  func.func @transform_5(%arg0: i32) -> (i32, i32) {
    %c0_i32 = arith.constant 0 : i32
    %c0_i32_0 = arith.constant 0 : i32
    %c0_i32_1 = arith.constant 0 : i32
    return %c0_i32, %c0_i32_0 : i32, i32
  }
  func.func @transform_6(%arg0: i32) -> (i32, i32) {
    %add3A = arith.constant 1 : i32
    %add3A_0 = arith.addi %arg0, %add3A : i32
    %c0_i32 = arith.constant 0 : i32
    %c0_i32_1 = arith.constant 0 : i32
    return %add3A_0, %c0_i32 : i32, i32
  }
}

</mosaic_0001>

<sc_bundles>
// kernel: kernel.4.cloned.1.call-start
scs
__scs_entry_jumppad:
0x0: {  	(pc) =	sbr.rel $0x88, $3  }
0x1: {  	(tag) =	ssettag $0x0;
	lr =	simm.s32 $0x1  }
0x2: {  	[smem:$0x3F9C] =	sst lr;
	_ =	strace $0xD0000000  }
0x3: {  	_ = 	snop  }
0x4: {  	_ = 	snop  }
0x5: {  	_ = 	snop  }
0x6: {  	_ = 	snop  }
0x7: {  	_ = 	snop  }
__scs_overlays_trampoline_lowered:
0x8: {  	[smem:$0x3FAB] =	sst s0  }
0x9: {  	[smem:$0x3FAC] =	sst s1  }
0xa: {  	[smem:$0x3FAD] =	sst s2  }
0xb: {  	[smem:$0x3FAE] =	sst s3  }
0xc: {  	[smem:$0x3FAF] =	sst s4  }
0xd: {  	[smem:$0x3FB0] =	sst s5  }
0xe: {  	[smem:$0x3FB1] =	sst s6  }
0xf: {  	[smem:$0x3FB2] =	sst s7  }
0x10: {  	[smem:$0x3FB3] =	sst s8  }
0x11: {  	[smem:$0x3FB4] =	sst s9;
	s0 =	simm.s32 @!p0 $0x0  }
0x12: {  	s1 =	sld [smem:$0x3F9A];
	s0 =	simm.s32 @p0 $0x1  }
0x13: {  	[smem:$0x3FB5] =	sst s0;
	s0 =	simm.s32 @!p1 $0x0  }
0x14: {  	s2 =	sld [smem:$0x3F99];
	s0 =	simm.s32 @p1 $0x1  }
0x15: {  	[smem:$0x3FB6] =	sst s0;
	s0 =	simm.s32 @!p2 $0x0  }
0x16: {  	s3 =	sld [smem:$0x3FDB];
	s0 =	simm.s32 @p2 $0x1  }
0x17: {  	s4 =	simm.s32 $0x1BF5;
	[smem:$0x3FB8] =	sst s0  }
0x18: {  	s0 =	sld [smem:$0x3F9B];
	_ =	swait.ge [sflag:s4], $0x0  }
0x19: {  	s7 =	sld [smem:$0x3F9C]  }
0x1a: {  	s8 =	sadd.s32 $0xFFFFE003, lr  }
0x1b: {  	s9 =	sadd.s32 $0xFFFFFEF7, lr;
	s5 =	simm.s32 $0xFFFFFFFF;
	p2 =	slt.u32 s8, $0xFFFFF086  }
0x1c: {  	p1 =	slt.u32 s9, $0xF7A;
	s5 =	simm.s32 @!p2 $0x0  }
0x1d: {  	s5 =	simm.s32 @p1 $0x1;
	p0 =	seq.s32 s7, s2  }
0x1e: {  	s7 =	smul.u32 @!p0 $0xF7A, s2;
	p2 =	seq.s32 @!p0 s5, $0x0  }
0x1f: {  	s9 =	smul.u32 $0xF7A, s1;
	s8 =	simm.s32 @!p0 $0x1BF5;
	p2 =	por !p2, p0  }
0x20: {  	[sflag:s8] =	ssyncset.s32 @!p0 $0xFFFFF086;
	s6 =	sadd.s32 @!p0 s3, s7;
	s7 =	simm.s32 @!p0 $0x108  }
0x21: {  	s3 =	sadd.s32 s3, s9;
	s6 =	sadd.s32 @!p0 $0x88, s6;
	s7 =	simm.s32 @p2 $0x1082  }
0x22: {  	[simem:s7], [sflag:s8] =	dma.local @!p0 [hbm:s6], $0xF7A  }
0x23: {  	s9 =	sor.u32 $0xD0000000, s2;
	s6 =	simm.s32 $0x108;
	_ =	swait.ge @!p0 [sflag:s8], $0x0  }
0x24: {  	s3 =	sadd.s32 $0x88, s3;
	s6 =	simm.s32 @!p1 $0x1082;
	[sflag:s4] =	ssyncset.s32 $0xFFFFF086  }
0x25: {  	[simem:s6], [sflag:s4] =	dma.local [hbm:s3], $0xF7A  }
0x26: {  	[smem:$0x3F9C] =	sst s1;
	(tag) =	ssettag s2;
	_ =	strace s9  }
0x27: {  	s1 =	sld [smem:$0x3FAC]  }
0x28: {  	s2 =	sld [smem:$0x3FAD]  }
0x29: {  	s4 =	sld [smem:$0x3FAF]  }
0x2a: {  	p0 =	seq.s32 s5, $0x0;
	s5 =	sld [smem:$0x3FB0]  }
0x2b: {  	s6 =	sld [smem:$0x3FB1]  }
0x2c: {  	s7 =	sld [smem:$0x3FB2]  }
0x2d: {  	s3 =	simm.s32 $0x108;
	s8 =	sld [smem:$0x3FB3]  }
0x2e: {  	s3 =	simm.s32 @!p0 $0x1082;
	s9 =	sld [smem:$0x3FB4]  }
0x2f: {  	lr =	sadd.s32 s0, s3;
	s0 =	sld [smem:$0x3FAB]  }
0x30: {  	s3 =	sld [smem:$0x3FAE]  }
0x31: {  	[smem:$0x3FB7] =	sst s10  }
0x32: {  	s10 =	sld [smem:$0x3FB5];
	_ =	sdelay $0x3  }
0x33: {  	p0 =	seq.s32 s10, $0x1;
	s10 =	sld [smem:$0x3FB7];
	_ =	sdelay $0x3  }
0x34: {  	[smem:$0x3FB7] =	sst s10  }
0x35: {  	s10 =	sld [smem:$0x3FB6];
	_ =	sdelay $0x3  }
0x36: {  	p1 =	seq.s32 s10, $0x1;
	s10 =	sld [smem:$0x3FB7];
	_ =	sdelay $0x3  }
0x37: {  	[smem:$0x3FB7] =	sst s10  }
0x38: {  	s10 =	sld [smem:$0x3FB8]  }
0x39: {  	_ = 	snop;
	(pc) =	sbr.ind lr, $3  }
0x3a: {  	_ = 	snop  }
0x3b: {  	_ = 	snop  }
0x3c: {  	p2 =	seq.s32 s10, $0x1;
	s10 =	sld [smem:$0x3FB7]  }
0x3d: {  	_ =	shalt  }
0x3e: {  	_ =	shalt  }
0x3f: {  	_ =	shalt  }
0x40: {  	_ =	shalt  }
0x41: {  	_ =	shalt  }
0x42: {  	_ =	shalt  }
0x43: {  	_ =	shalt  }
0x44: {  	_ =	shalt  }
0x45: {  	_ =	shalt  }
0x46: {  	_ =	shalt  }
0x47: {  	_ =	shalt  }
0x48: {  	_ =	shalt  }
0x49: {  	_ =	shalt  }
0x4a: {  	_ =	shalt  }
0x4b: {  	_ =	shalt  }
0x4c: {  	_ =	shalt  }
0x4d: {  	_ =	shalt  }
0x4e: {  	_ =	shalt  }
0x4f: {  	_ =	shalt  }
0x50: {  	_ =	shalt  }
0x51: {  	_ =	shalt  }
0x52: {  	_ =	shalt  }
0x53: {  	_ =	shalt  }
0x54: {  	_ =	shalt  }
0x55: {  	_ =	shalt  }
0x56: {  	_ =	shalt  }
0x57: {  	_ =	shalt  }
0x58: {  	_ =	shalt  }
0x59: {  	_ =	shalt  }
0x5a: {  	_ =	shalt  }
0x5b: {  	_ =	shalt  }
0x5c: {  	_ =	shalt  }
0x5d: {  	_ =	shalt  }
0x5e: {  	_ =	shalt  }
0x5f: {  	_ =	shalt  }
0x60: {  	_ =	shalt  }
0x61: {  	_ =	shalt  }
0x62: {  	_ =	shalt  }
0x63: {  	_ =	shalt  }
0x64: {  	_ =	shalt  }
0x65: {  	_ =	shalt  }
0x66: {  	_ =	shalt  }
0x67: {  	_ =	shalt  }
0x68: {  	_ =	shalt  }
0x69: {  	_ =	shalt  }
0x6a: {  	_ =	shalt  }
0x6b: {  	_ =	shalt  }
0x6c: {  	_ =	shalt  }
0x6d: {  	_ =	shalt  }
0x6e: {  	_ =	shalt  }
0x6f: {  	_ =	shalt  }
0x70: {  	_ =	shalt  }
0x71: {  	_ =	shalt  }
0x72: {  	_ =	shalt  }
0x73: {  	_ =	shalt  }
0x74: {  	_ =	shalt  }
0x75: {  	_ =	shalt  }
0x76: {  	_ =	shalt  }
0x77: {  	_ =	shalt  }
0x78: {  	_ =	shalt  }
0x79: {  	_ =	shalt  }
0x7a: {  	_ =	shalt  }
0x7b: {  	_ =	shalt  }
0x7c: {  	_ =	shalt  }
0x7d: {  	_ =	shalt  }
0x7e: {  	_ =	shalt  }
0x7f: {  	_ =	shalt  }
0x80: {  	_ =	shalt  }
0x81: {  	_ =	shalt  }
0x82: {  	_ =	shalt  }
0x83: {  	_ =	shalt  }
0x84: {  	_ =	shalt  }
0x85: {  	_ =	shalt  }
0x86: {  	_ =	shalt  }
0x87: {  	_ =	shalt  }
.Lfunc_end0:
.L_simem_size_0:
called_computation.1_lowered:
.L_overlay_start_0:
0x88: {  	s2 =	sld [smem:$0x3FD9]  }
0x89: {  	s3 =	sld [smem:$0x3FFE];
	_ =	sdelay $0x1  }
0x8a: {  	s1 =	srdreg.scid  }
0x8b: {  	s0 =	sand.u32 $0x1, s1  }
0x8c: {  	s17 =	sshll.u32 s0, $0xA;
	s2 =	sadd.s32 s3, s2  }
0x8d: {  	s2 =	sadd.s32 s2, s17  }
0x8e: {  	[smem:$0x3FC3] =	sst s2  }
0x8f: {  	_ = 	snop  }
0x90: {  	s2 =	sld [smem:$0x3FD0];
	(tm) =	ssettm $0x1  }
0x91: {  	s18 =	sld [smem:$0x3FFB];
	_ =	sdelay $0x3  }
0x92: {  	_ =	strace s18  }
0x93: {  	s3 =	sld [smem:$0x3FFC];
	_ =	sdelay $0x3  }
0x94: {  	_ =	strace s3  }
0x95: {  	s3 =	sld [smem:$0x3FFD];
	_ =	sdelay $0x3  }
0x96: {  	_ =	strace s3  }
0x97: {  	_ =	strace $0x8FFFFFFF  }
0x98: {  	s19 =	sld [smem:$0x3FDB];
	_ =	sdelay $0x1  }
0x99: {  	s4 =	simm.s32 $_scs_section_size  }
0x9a: {  	s5 =	simm.s32 $_size__tile_overlayer_lowered;
	s6 =	simm.s32 $_tile_overlayer_lowered  }
0x9b: {  	s22 =	simm.s32 $0x1BFF;
	s21 =	sshll.u32 s6, $0x1;
	s3 =	sadd.s32 s4, s19  }
0x9c: {  	s7 =	simm.s32 $0x0;
	s20 =	sshll.u32 s5, $0x1;
	s5 =	sadd.s32 s21, s3  }
0x9d: {  	[timem:s7], [sflag:s22] =	dma.local [hbm:s5], s20  }
0x9e: {  	_ =	swait.ge [sflag:s22], s20  }
0x9f: {  	s4 =	ssub.s32 $0x0, s20;
	[sflag:s22] =	ssyncset.done $0x0  }
0xa0: {  	[sflag:s22] =	ssyncadd.s32 s4;
	_ =	sdelay $0x1  }
0xa1: {  	s23 =	simm.s32 $0x1B8B  }
0xa2: {  	_ =	swait.ge [sflag:s23], $0x1  }
0xa3: {  	[sflag:s23] =	ssyncset.done $0x0  }
0xa4: {  	s25 =	simm.s32 $0x1B8E;
	s24 =	sld [smem:$0x3FFE];
	[sflag:s23] =	ssyncadd.s32 $0xFFFFFFFF  }
0xa5: {  	s26 =	simm.s32 $execute0_lowered;
	[smem:$0x3FD2] =	sst s25  }
0xa6: {  	s5 =	sshll.u32 s26, $0x1;
	_ =	strace $0x80000046;
	[dreg:$0x1] =	wrdreg $0xFFFFFFFF  }
0xa7: {  	s28 =	simm.s32 $_size_execute0_lowered;
	s3 =	sadd.s32 s3, s5;
	[dreg:$0x0] =	wrdreg $0x0  }
0xa8: {  	s5 =	sshll.u32 s28, $0x1;
	[dreg:$0x2] =	wrdreg s3  }
0xa9: {  	[dreg:$0x3] =	wrdreg s5  }
0xaa: {  	[dreg:$0x4] =	wrdreg $0xC0  }
0xab: {  	_ =	task [dreg:s7], $0x5FFFF  }
0xac: {  	[dreg:$0x1] =	wrdreg $0xFFFFFFFF  }
0xad: {  	[dreg:$0x0] =	wrdreg $0x60  }
0xae: {  	[dreg:$0x2] =	wrdreg s24  }
0xaf: {  	[dreg:$0x3] =	wrdreg s2  }
0xb0: {  	[dreg:$0x4] =	wrdreg $0x9  }
0xb1: {  	_ =	task.clear_ibuf [dreg:s7], $0x5FFFF;
	_ =	strace $0x90000046  }
0xb2: {  	s29 =	simm.s32 $0x9;
	_ =	strace $0x80000048  }
0xb3: {  	_ =	swait.ge [sflag:s29], $0x1  }
0xb4: {  	[sflag:s29] =	ssyncadd.s32 $0xFFFFFFFF  }
0xb5: {  	_ =	strace $0x90000048  }
0xb6: {  	_ =	sfence  }
0xb7: {  	s30 =	sld [smem:$0x0];
	_ =	sdelay $0x2  }
0xb8: {  	s31 =	sshll.u32 s1, $0xD;
	s1 =	sshrl.u32 s1, $0x2  }
0xb9: {  	s3 =	sand.u32 $0x4000, s31;
	s1 =	sadd.s32 s1, s30  }
0xba: {  	s0 =	sor.u32 s3, s0;
	s1 =	sshll.u32 s1, $0x11  }
0xbb: {  	s0 =	sor.u32 s1, s0  }
0xbc: {  	s0 =	sadd.s32 $0x8F2B, s0  }
0xbd: {  	[sflag:s0] =	ssyncadd.remote.s32 $0x1  }
0xbe: {  	_ =	sfence.sel $0xFFFF  }
0xbf: {  	[dreg:$0x0] =	wrdreg $0xFFFFFFFF;
	(pc) =	sbr.abs _section_cstart, $3  }
0xc0: {  	[dreg:$0x1] =	wrdreg $0xFFFFFFFF  }
0xc1: {  	_ =	task.clear_ibuf [dreg:s7], $0x2FFFF;
	_ =	strace $0x9FFFFFFF  }
0xc2: {  	(tm) =	ssettm $0x7FFFFFFF  }
0xc3: {  	_ =	shalt  }
tec
execute0_lowered:
.L_overlay_start_1:
0x0: {  	(tag) =	ssettag $0x1  }
0x1: {  	s8 =	rddreg [dreg:$0x0]  }
0x2: {  	s1 =	rddreg [dreg:$0x1]  }
0x3: {  	s0 =	rddreg [dreg:$0x2]  }
0x4: {  	v0 =	vlaneseq.u32;
	s2 =	simm.s32 $0x0;
	s4 =	srdreg.scid;
	s6 =	stileid.u32  }
0x5: {  	v4 =	vimm.s32 $0x0;
	v11 =	vimm.s32 $0x1;
	s12 =	simm.s32 $0x1;
	s13 =	simm.s32 $0x800;
	s14 =	simm.s32 $0x1000;
	v1 =	vmul.u32 $0x80, v0  }
0x6: {  	s15 =	simm.s32 $0x1800;
	s16 =	simm.s32 $0x2200;
	s17 =	simm.s32 $0x2A80;
	v3 =	vor.u32 $0x3F0, v0;
	v5 =	vor.u32 $0x1F0, v0;
	v6 =	vor.u32 $0xF0, v0  }
0x7: {  	s18 =	simm.s32 $0x3680;
	s19 =	simm.s32 $0x0;
	[smem:$0x7FF] =	sst s2;
	v7 =	vor.u32 $0x70, v0;
	v8 =	vor.u32 $0x30, v0;
	v9 =	vmul.u32 $0x10, v0  }
0x8: {  	s3 =	sadd.s32 $0xA00, s8;
	s9 =	sand.u32 $0x1, s4;
	s4 =	sadd.s32 $0x4A00, s8;
	v10 =	vor.u32 $0x10, v0;
	v2 =	vor.u32 $0x7F, v1;
	v12 =	vor.u32 $0x1, v1  }
0x9: {  	s5 =	sadd.s32 $0x20CA00, s8;
	s7 =	sadd.s32 $0x108A00, s8;
	s10 =	ssub.s32 $0x2, s9;
	v13 =	vor.u32 $0x2, v1;
	v14 =	vor.u32 $0x100, v9;
	v15 =	vor.u32 $0x200, v9  }
0xa: {  	s31 =	sshll.u32 s6, $0x6;
	s8 =	sadd.s32 $0x210A00, s8;
	s11 =	sshrl.u32 s10, $0x1;
	v16 =	vor.u32 $0x300, v9;
	v17 =	vor.u32 $0x400, v9;
	v18 =	vor.u32 $0x500, v9  }
0xb: {  	_ =	strace $0x80000047;
	s9 =	sshll.u32 s9, $0x5;
	v19 =	vor.u32 $0x600, v9;
	v20 =	vor.u32 $0x700, v9;
	v21 =	vor.u32 $0x800, v9;
	s10 =	ssub.s32 s10, s11  }
0xc: {  	s9 =	sor.u32 s9, s31;
	v22 =	vor.u32 $0x900, v9;
	v23 =	vor.u32 $0xA00, v9;
	v24 =	vor.u32 $0xB00, v9;
	s11 =	simm.s32 $0x2000;
	s10 =	smax.u32 s10, $0x1  }
.LBB2_1:
0xd: {  	[tilespmem:s11], [sflag:$0x1] =	stream.linear.gather [hbm4b:s8+s2], $0x180, $0x38;
	[tilespmem:$0x4280] =	vst v63  }
0xe: {  	_ =	swait.ge [sflag:s12], $0x180  }
0xf: {  	[sflag:s12] =	ssyncset.done $0x0  }
0x10: {  	p1 =	por $0x1, $0x1;
	s20 =	simm.s32 $0x0;
	[sflag:s12] =	ssyncadd.s32 $0xFFFFFE80  }
.LBB2_2:
0x11: {  	s20 =	sor.u32 s9, s20  }
0x12: {  	s21 =	sshll.u32 s20, $0x4  }
0x13: {  	s22 =	simm.s32 $0x0;
	s23 =	sadd.s32 s3, s21  }
0x14: {  	[tilespmem:s22], [sflag:$0x1] =	stream.linear.gather [hbm4b:s23+s22], $0x800, $0x38;
	[tilespmem:$0x4280] =	vst v63  }
0x15: {  	_ =	swait.ge [sflag:s12], $0x800  }
0x16: {  	[sflag:s12] =	ssyncset.done $0x0  }
0x17: {  	s28 =	sadd.s32 s4, s21;
	[sflag:s12] =	ssyncadd.s32 $0xFFFFF800  }
0x18: {  	[tilespmem:s13], [sflag:$0x1] =	stream.linear.gather [hbm4b:s28+s22], $0x800, $0x38;
	[tilespmem:$0x4280] =	vst v63  }
0x19: {  	_ =	swait.ge [sflag:s12], $0x800  }
0x1a: {  	[sflag:s12] =	ssyncset.done $0x0  }
0x1b: {  	s29 =	sadd.s32 s5, s21;
	[sflag:s12] =	ssyncadd.s32 $0xFFFFF800  }
0x1c: {  	[tilespmem:s14], [sflag:$0x1] =	stream.linear.gather [hbm4b:s29+s22], $0x800, $0x38;
	[tilespmem:$0x4280] =	vst v63  }
0x1d: {  	_ =	swait.ge [sflag:s12], $0x800  }
0x1e: {  	[sflag:s12] =	ssyncset.done $0x0  }
0x1f: {  	s21 =	sadd.s32 s7, s21;
	[sflag:s12] =	ssyncadd.s32 $0xFFFFF800  }
0x20: {  	[tilespmem:s15], [sflag:$0x1] =	stream.linear.gather [hbm4b:s21+s22], $0x800, $0x38;
	[tilespmem:$0x4280] =	vst v63  }
0x21: {  	_ =	swait.ge [sflag:s12], $0x800  }
0x22: {  	[sflag:s12] =	ssyncset.done $0x0  }
0x23: {  	[sflag:s12] =	ssyncadd.s32 $0xFFFFF800  }
0x24: {  	v25 =	vld.idx.msk [tilespmem:v2+s22+$0x0], $0xffff;
	_ =	sdelay $0x4  }
0x25: {  	(erf) = vrcp.f32 v25;
	_ =	sdelay $0x4  }
0x26: {  	v25 =	vmov s22  }
0x27: {  	v25 =	vand.u32 $0x7F, v25  }
0x28: {  	v25 =	vbroadcast v25, $0x0;
	_ =	sdelay $0x1  }
0x29: {  	v25 =	vor.u32 v1, v25;
	v26 =	vpop (erf)  }
0x2a: {  	v26 =	vmul.f32 $2.000000030e-01, v26;
	_ =	sdelay $0x1  }
0x2b: {  	[tilespmem:$0x2A00] =	vst v26;
	v26 =	vimm.f32 $1.000000000e+00  }
0x2c: {  	[tilespmem:$0x2A10] =	vst v26;
	v27 =	vld [tilespmem:$0x2A00]  }
0x2d: {  	v28 =	vld.idx.msk [tilespmem:v25+s22+$0x0], $0xffff  }
0x2e: {  	s30 =	simm.s32 $0x1;
	v25 =	vld.idx.msk [tilespmem:v25+s13+$0x0], $0xffff  }
0x2f: {  	v29 =	vmov s30  }
0x30: {  	v29 =	vand.u32 $0x7F, v29;
	v30 =	vsub.f32 $1.000000000e+00, v26  }
0x31: {  	v29 =	vbroadcast v29, $0x0  }
0x32: {  	v30 =	vmul.f32 $8.000000110e-01, v30;
	v27 =	vmul.f32 v27, v28  }
0x33: {  	v28 =	vor.u32 v1, v29;
	v25 =	vsub.f32 $1.000000000e+00, v25  }
0x34: {  	v27 =	vadd.f32 v27, v30  }
0x35: {  	s21 =	simm.s32 $0x2200;
	v25 =	vmul.f32 v25, v26  }
0x36: {  	[tilespmem:s21+$0x0] =	vst v27  }
0x37: {  	v26 =	vld [tilespmem:$0x2A00];
	[tilespmem:$0x2A10] =	vst v25  }
0x38: {  	v27 =	vld.idx.msk [tilespmem:v28+s22+$0x0], $0xffff  }
0x39: {  	s31 =	simm.s32 $0x2;
	v28 =	vld.idx.msk [tilespmem:v28+s13+$0x0], $0xffff  }
0x3a: {  	v29 =	vmov s31  }
0x3b: {  	p0 =	por p1, p1;
	s23 =	simm.s32 $0x3;
	v29 =	vand.u32 $0x7F, v29;
	v30 =	vsub.f32 $1.000000000e+00, v25  }
.LBB2_3:
0x3c: {  	p1 =	sne.s32 s23, $0x7F;
	v29 =	vbroadcast v29, $0x0  }
0x3d: {  	v26 =	vmul.f32 v26, v27;
	v30 =	vmul.f32 $8.000000110e-01, v30  }
0x3e: {  	v27 =	vsub.f32 $1.000000000e+00, v28;
	v29 =	vor.u32 v1, v29  }
0x3f: {  	v26 =	vadd.f32 v26, v30  }
0x40: {  	s21 =	sadd.s32 $0x10, s21;
	v25 =	vmul.f32 v27, v25  }
0x41: {  	[tilespmem:s21+$0x0] =	vst v26  }
0x42: {  	v26 =	vld [tilespmem:$0x2A00];
	[tilespmem:$0x2A10] =	vst v25  }
.Ltmp0:
0x43: {  	v27 =	vld.idx.msk [tilespmem:v29+s22+$0x0], $0xffff;
	(pc) =	sbr.rel @p1 .LBB2_3-.Ltmp0, $3  }
0x44: {  	v28 =	vld.idx.msk [tilespmem:v29+s13+$0x0], $0xffff;
	_ =	sdelay $0x1  }
0x45: {  	v29 =	vmov s23  }
0x46: {  	v30 =	vsub.f32 $1.000000000e+00, v25;
	s23 =	sadd.s32 $0x1, s23;
	v29 =	vand.u32 $0x7F, v29  }
0x47: {  	v29 =	vbroadcast v29, $0x0  }
0x48: {  	v26 =	vmul.f32 v26, v27;
	v30 =	vmul.f32 $8.000000110e-01, v30  }
0x49: {  	v28 =	vsub.f32 $1.000000000e+00, v28;
	v27 =	vor.u32 v1, v29  }
0x4a: {  	v26 =	vadd.f32 v26, v30  }
0x4b: {  	s21 =	sadd.s32 $0x10, s21;
	v25 =	vmul.f32 v28, v25  }
0x4c: {  	[tilespmem:s21+$0x0] =	vst v26  }
0x4d: {  	v26 =	vld [tilespmem:$0x2A00];
	[tilespmem:$0x2A10] =	vst v25  }
0x4e: {  	v62 =	vld.idx.msk [tilespmem:v27+s22+$0x0], $0xffff  }
0x4f: {  	v27 =	vld.idx.msk [tilespmem:v27+s13+$0x0], $0xffff;
	_ =	sdelay $0x1  }
0x50: {  	v63 =	vsub.f32 $1.000000000e+00, v25;
	_ =	sdelay $0x1  }
0x51: {  	v29 =	vmul.f32 $8.000000110e-01, v63;
	v26 =	vmul.f32 v26, v62  }
0x52: {  	v27 =	vsub.f32 $1.000000000e+00, v27  }
0x53: {  	v26 =	vadd.f32 v26, v29  }
0x54: {  	s21 =	sadd.s32 $0x10, s21;
	v25 =	vmul.f32 v27, v25  }
0x55: {  	[tilespmem:s21+$0x0] =	vst v26  }
0x56: {  	s23 =	simm.s32 $0x2AA0;
	[tilespmem:$0x2A10] =	vst v25  }
.LBB2_5:
0x57: {  	v25 =	vmov s22  }
0x58: {  	v25 =	vand.u32 $0x7F, v25  }
0x59: {  	v25 =	vbroadcast v25, $0x0;
	_ =	sdelay $0x1  }
0x5a: {  	v25 =	vor.u32 v1, v25;
	_ =	sdelay $0x4  }
0x5b: {  	v25 =	vld.idx.msk [tilespmem:v25+s14+$0x0], $0xffff  }
0x5c: {  	s21 =	scvt.s32.f32 s22;
	_ =	sdelay $0x1  }
0x5d: {  	s21 =	smul.f32 $1.562500000e-02, s21;
	_ =	sdelay $0x1  }
0x5e: {  	s24 =	sadd.f32 $1.562500000e-02, s21;
	v26 =	vsub.f32 $1.000000000e+00, v25  }
0x5f: {  	v27 =	vld [tilespmem:$0x29F0]  }
0x60: {  	v25 =	vmul.f32 s21, v25;
	v26 =	vmul.f32 s24, v26  }
0x61: {  	v28 =	vld.idx.msk [tilespmem:v3+s16+$0x0], $0xffff  }
0x62: {  	v25 =	vadd.f32 v26, v25;
	_ =	sdelay $0x1  }
0x63: {  	v25 =	vmul.f32 v25, v27;
	_ =	sdelay $0x1  }
0x64: {  	vm0 =	vle.f32 v28, v25  }
0x65: {  	v26 =	vsel vm0, $0x40, v4  }
0x66: {  	v53 =	vshll.u32 v26, $0x4  }
0x67: {  	v28 =	vor.u32 v5, v53;
	_ =	sdelay $0x4  }
0x68: {  	v28 =	vld.idx.msk [tilespmem:v28+s16+$0x0], $0xffff;
	_ =	sdelay $0x4  }
0x69: {  	v54 =	vor.u32 $0x20, v26;
	vm6 =	vle.f32 v28, v25  }
0x6a: {  	v26 =	vsel vm6, v54, v26  }
0x6b: {  	v28 =	vshll.u32 v26, $0x4  }
0x6c: {  	v28 =	vor.u32 v6, v28;
	_ =	sdelay $0x4  }
0x6d: {  	v28 =	vld.idx.msk [tilespmem:v28+s16+$0x0], $0xffff;
	_ =	sdelay $0x4  }
0x6e: {  	v55 =	vor.u32 $0x10, v26;
	vm7 =	vle.f32 v28, v25  }
0x6f: {  	v26 =	vsel vm7, v55, v26  }
0x70: {  	v28 =	vshll.u32 v26, $0x4  }
0x71: {  	v28 =	vor.u32 v7, v28;
	_ =	sdelay $0x4  }
0x72: {  	v28 =	vld.idx.msk [tilespmem:v28+s16+$0x0], $0xffff;
	_ =	sdelay $0x4  }
0x73: {  	v56 =	vor.u32 $0x8, v26;
	vm8 =	vle.f32 v28, v25  }
0x74: {  	v26 =	vsel vm8, v56, v26  }
0x75: {  	v28 =	vshll.u32 v26, $0x4  }
0x76: {  	v28 =	vadd.s32 v8, v28;
	_ =	sdelay $0x4  }
0x77: {  	v28 =	vld.idx.msk [tilespmem:v28+s16+$0x0], $0xffff;
	_ =	sdelay $0x4  }
0x78: {  	v57 =	vadd.s32 $0x4, v26;
	vm9 =	vle.f32 v28, v25  }
0x79: {  	v26 =	vsel vm9, v57, v26  }
0x7a: {  	v28 =	vshll.u32 v26, $0x4  }
0x7b: {  	v28 =	vadd.s32 v10, v28;
	_ =	sdelay $0x4  }
0x7c: {  	v28 =	vld.idx.msk [tilespmem:v28+s16+$0x0], $0xffff;
	_ =	sdelay $0x4  }
0x7d: {  	v58 =	vadd.s32 $0x2, v26;
	vm10 =	vle.f32 v28, v25  }
0x7e: {  	v26 =	vsel vm10, v58, v26  }
0x7f: {  	v28 =	vshll.u32 v26, $0x4  }
0x80: {  	v28 =	vor.u32 v0, v28;
	_ =	sdelay $0x4  }
0x81: {  	v28 =	vld.idx.msk [tilespmem:v28+s16+$0x0], $0xffff;
	_ =	sdelay $0x4  }
0x82: {  	vm11 =	vle.f32 v28, v25  }
0x83: {  	v28 =	vsel vm11, $0x1, v4  }
0x84: {  	v26 =	vadd.s32 v28, v26  }
0x85: {  	vm1 =	vle.f32 v27, v25;
	vm12 =	veq.s32 v26, $0x7F  }
0x86: {  	vm0 =	vmand vm1, vm12  }
0x87: {  	v59 =	vsel vm0, $0x1, v4  }
0x88: {  	v26 =	vadd.s32 v59, v26  }
0x89: {  	v28 =	vmax.u32 v26, $0x1;
	v29 =	vmin.u32 v26, $0x7F  }
0x8a: {  	v28 =	vsub.s32 v28, v11;
	v31 =	vshll.u32 v29, $0x4  }
0x8b: {  	v30 =	vshll.u32 v28, $0x4;
	v31 =	vor.u32 v0, v31  }
0x8c: {  	v30 =	vor.u32 v0, v30;
	_ =	sdelay $0x3  }
0x8d: {  	v31 =	vld.idx.msk [tilespmem:v31+s16+$0x0], $0xffff  }
0x8e: {  	v30 =	vld.idx.msk [tilespmem:v30+s16+$0x0], $0xffff;
	_ =	sdelay $0x1  }
0x8f: {  	v32 =	vsub.f32 $0.0e+00, v27;
	v33 =	vadd.f32 v27, v27  }
0x90: {  	vm13 =	veq.s32 v26, $0x0;
	vm14 =	veq.s32 v26, $0x80;
	v26 =	vand.u32 $0x7FFFFFFF, v28  }
0x91: {  	v26 =	vadd.s32 v1, v26  }
0x92: {  	v29 =	vor.u32 v1, v29;
	v61 =	vsel vm14, v33, v31;
	v60 =	vsel vm13, v32, v30  }
0x93: {  	v27 =	vmul.f32 $9.999999970e-07, v27;
	v30 =	vsub.f32 v61, v60;
	_ =	sdelay $0x1  }
0x94: {  	s21 =	simm.s32 $0x0;
	vm15 =	vgt.f32 v30, v27  }
0x95: {  	v26 =	vld.idx.msk [tilespmem:v26+s21+$0x0], $0xffff;
	v27 =	vnsel vm15, $0x3F800000, v30  }
0x96: {  	(erf) = vrcp.f32 v27;
	v27 =	vld.idx.msk [tilespmem:v29+s21+$0x0], $0xffff;
	_ =	sdelay $0x4  }
0x97: {  	v27 =	vsub.f32 v27, v26  }
0x98: {  	v25 =	vsub.f32 v25, v60;
	_ =	sdelay $0x1  }
0x99: {  	v25 =	vmul.f32 v25, v27  }
0x9a: {  	v27 =	vpop (erf)  }
0x9b: {  	v25 =	vmul.f32 v27, v25;
	v27 =	vld.idx.msk [tilespmem:v1+s15+$0x0], $0xffff;
	_ =	sdelay $0x1  }
0x9c: {  	v62 =	vld [tilespmem:$0x2000];
	v25 =	vnsel vm15, $0x0, v25  }
0x9d: {  	v25 =	vadd.f32 v25, v26;
	_ =	sdelay $0x1  }
0x9e: {  	v26 =	vmul.f32 v25, v27;
	_ =	sdelay $0x1  }
0x9f: {  	v26 =	vadd.f32 v26, v62  }
0xa0: {  	v27 =	vld.idx.msk [tilespmem:v12+s15+$0x0], $0xffff  }
0xa1: {  	v63 =	vld.idx.msk [tilespmem:v13+s15+$0x0], $0xffff;
	[tilespmem:s23+$0xFFFFFFE0] =	vst v26  }
0xa2: {  	v26 =	vld [tilespmem:$0x2080];
	_ =	sdelay $0x2  }
0xa3: {  	v27 =	vmul.f32 v25, v27;
	_ =	sdelay $0x1  }
0xa4: {  	v26 =	vadd.f32 v27, v26;
	_ =	sdelay $0x1  }
0xa5: {  	[tilespmem:s23+$0xFFFFFFF0] =	vst v26  }
0xa6: {  	v26 =	vld [tilespmem:$0x2100];
	_ =	sdelay $0x1  }
0xa7: {  	p1 =	sne.s32 s22, $0x3F  }
.Ltmp1:
0xa8: {  	v25 =	vmul.f32 v25, v63;
	(pc) =	sbr.rel @p1 .LBB2_5-.Ltmp1, $3  }
0xa9: {  	_ = 	snop  }
0xaa: {  	v25 =	vadd.f32 v25, v26;
	_ =	sdelay $0x1  }
0xab: {  	s22 =	sadd.s32 $0x1, s22;
	[tilespmem:s23+$0x0] =	vst v25;
	s23 =	sadd.s32 $0x30, s23  }
0xac: {  	v25 =	vor.u32 s21, v9;
	_ =	sdelay $0x4  }
0xad: {  	v25 =	vld.idx.msk [tilespmem:v25+s17+$0x0], $0xffff  }
0xae: {  	v26 =	vor.u32 s21, v14;
	_ =	sdelay $0x2  }
0xaf: {  	s22 =	simm.s32 $0x36E0  }
0xb0: {  	[tilespmem:s22+$0xFFFFFFA0] =	vst v25  }
0xb1: {  	v25 =	vld.idx.msk [tilespmem:v26+s17+$0x0], $0xffff  }
0xb2: {  	v26 =	vor.u32 s21, v15;
	_ =	sdelay $0x3  }
0xb3: {  	[tilespmem:s22+$0xFFFFFFB0] =	vst v25  }
0xb4: {  	v25 =	vld.idx.msk [tilespmem:v26+s17+$0x0], $0xffff  }
0xb5: {  	v26 =	vor.u32 s21, v16;
	_ =	sdelay $0x3  }
0xb6: {  	[tilespmem:s22+$0xFFFFFFC0] =	vst v25  }
0xb7: {  	v25 =	vld.idx.msk [tilespmem:v26+s17+$0x0], $0xffff  }
0xb8: {  	v26 =	vor.u32 s21, v17;
	_ =	sdelay $0x3  }
0xb9: {  	[tilespmem:s22+$0xFFFFFFD0] =	vst v25  }
0xba: {  	v25 =	vld.idx.msk [tilespmem:v26+s17+$0x0], $0xffff  }
0xbb: {  	v26 =	vor.u32 s21, v18;
	_ =	sdelay $0x3  }
0xbc: {  	[tilespmem:s22+$0xFFFFFFE0] =	vst v25  }
0xbd: {  	v25 =	vld.idx.msk [tilespmem:v26+s17+$0x0], $0xffff  }
0xbe: {  	v26 =	vor.u32 s21, v19;
	_ =	sdelay $0x3  }
0xbf: {  	[tilespmem:s22+$0xFFFFFFF0] =	vst v25  }
0xc0: {  	v25 =	vld.idx.msk [tilespmem:v26+s17+$0x0], $0xffff  }
0xc1: {  	v26 =	vor.u32 s21, v20;
	_ =	sdelay $0x3  }
0xc2: {  	[tilespmem:s22+$0x0] =	vst v25  }
0xc3: {  	v25 =	vld.idx.msk [tilespmem:v26+s17+$0x0], $0xffff  }
0xc4: {  	v26 =	vor.u32 s21, v21;
	_ =	sdelay $0x3  }
0xc5: {  	[tilespmem:s22+$0x10] =	vst v25  }
0xc6: {  	v25 =	vld.idx.msk [tilespmem:v26+s17+$0x0], $0xffff  }
0xc7: {  	v26 =	vor.u32 s21, v22;
	_ =	sdelay $0x2  }
0xc8: {  	s23 =	sand.u32 $0xFC0, s21  }
0xc9: {  	[tilespmem:s23+$0x3700] =	vst v25  }
0xca: {  	v25 =	vld.idx.msk [tilespmem:v26+s17+$0x0], $0xffff  }
0xcb: {  	v26 =	vor.u32 s21, v23;
	_ =	sdelay $0x3  }
0xcc: {  	[tilespmem:s22+$0x30] =	vst v25  }
0xcd: {  	v25 =	vld.idx.msk [tilespmem:v26+s17+$0x0], $0xffff  }
0xce: {  	v26 =	vor.u32 s21, v24;
	_ =	sdelay $0x3  }
0xcf: {  	[tilespmem:s22+$0x40] =	vst v25  }
0xd0: {  	s23 =	simm.s32 $0x1;
	v25 =	vld.idx.msk [tilespmem:v26+s17+$0x0], $0xffff  }
0xd1: {  	s24 =	simm.s32 $0x2;
	v26 =	vor.u32 s23, v9  }
.LBB2_7:
0xd2: {  	p1 =	sne.s32 s24, $0xF;
	_ =	sdelay $0x2  }
0xd3: {  	[tilespmem:s22+$0x50] =	vst v25  }
0xd4: {  	v25 =	vld.idx.msk [tilespmem:v26+s17+$0x0], $0xffff;
	_ =	sdelay $0x1  }
0xd5: {  	v26 =	vor.u32 s23, v14;
	_ =	sdelay $0x2  }
0xd6: {  	s22 =	sadd.s32 $0xC0, s22  }
0xd7: {  	[tilespmem:s22+$0xFFFFFFA0] =	vst v25  }
0xd8: {  	v25 =	vld.idx.msk [tilespmem:v26+s17+$0x0], $0xffff;
	_ =	sdelay $0x1  }
0xd9: {  	v26 =	vor.u32 s23, v15;
	_ =	sdelay $0x3  }
0xda: {  	[tilespmem:s22+$0xFFFFFFB0] =	vst v25  }
0xdb: {  	v25 =	vld.idx.msk [tilespmem:v26+s17+$0x0], $0xffff;
	_ =	sdelay $0x1  }
0xdc: {  	v26 =	vor.u32 s23, v16;
	_ =	sdelay $0x3  }
0xdd: {  	[tilespmem:s22+$0xFFFFFFC0] =	vst v25  }
0xde: {  	v25 =	vld.idx.msk [tilespmem:v26+s17+$0x0], $0xffff;
	_ =	sdelay $0x1  }
0xdf: {  	v26 =	vor.u32 s23, v17;
	_ =	sdelay $0x3  }
0xe0: {  	[tilespmem:s22+$0xFFFFFFD0] =	vst v25  }
0xe1: {  	v25 =	vld.idx.msk [tilespmem:v26+s17+$0x0], $0xffff;
	_ =	sdelay $0x1  }
0xe2: {  	v26 =	vor.u32 s23, v18;
	_ =	sdelay $0x3  }
0xe3: {  	[tilespmem:s22+$0xFFFFFFE0] =	vst v25  }
0xe4: {  	v25 =	vld.idx.msk [tilespmem:v26+s17+$0x0], $0xffff;
	_ =	sdelay $0x1  }
0xe5: {  	v26 =	vor.u32 s23, v19;
	_ =	sdelay $0x3  }
0xe6: {  	[tilespmem:s22+$0xFFFFFFF0] =	vst v25  }
0xe7: {  	v25 =	vld.idx.msk [tilespmem:v26+s17+$0x0], $0xffff;
	_ =	sdelay $0x1  }
0xe8: {  	v26 =	vor.u32 s23, v20;
	_ =	sdelay $0x3  }
0xe9: {  	[tilespmem:s22+$0x0] =	vst v25  }
0xea: {  	v25 =	vld.idx.msk [tilespmem:v26+s17+$0x0], $0xffff;
	_ =	sdelay $0x1  }
0xeb: {  	v26 =	vor.u32 s23, v21;
	_ =	sdelay $0x3  }
0xec: {  	[tilespmem:s22+$0x10] =	vst v25  }
0xed: {  	v25 =	vld.idx.msk [tilespmem:v26+s17+$0x0], $0xffff;
	_ =	sdelay $0x1  }
0xee: {  	v26 =	vor.u32 s23, v22;
	_ =	sdelay $0x1  }
0xef: {  	s21 =	sadd.s32 $0xC0, s21  }
0xf0: {  	s25 =	sand.u32 $0xFC0, s21  }
0xf1: {  	[tilespmem:s25+$0x3700] =	vst v25  }
0xf2: {  	v25 =	vld.idx.msk [tilespmem:v26+s17+$0x0], $0xffff;
	_ =	sdelay $0x1  }
0xf3: {  	v26 =	vor.u32 s23, v23;
	_ =	sdelay $0x3  }
0xf4: {  	[tilespmem:s22+$0x30] =	vst v25  }
0xf5: {  	v25 =	vld.idx.msk [tilespmem:v26+s17+$0x0], $0xffff;
	_ =	sdelay $0x1  }
0xf6: {  	v26 =	vor.u32 s23, v24;
	s23 =	smov.u32 s24;
	_ =	sdelay $0x2  }
.Ltmp2:
0xf7: {  	(pc) =	sbr.rel @p1 .LBB2_7-.Ltmp2, $3  }
0xf8: {  	[tilespmem:s22+$0x40] =	vst v25  }
0xf9: {  	v25 =	vld.idx.msk [tilespmem:v26+s17+$0x0], $0xffff;
	_ =	sdelay $0x1  }
0xfa: {  	s24 =	sadd.s32 $0x1, s24;
	v26 =	vor.u32 s23, v9  }
0xfb: {  	_ =	sdelay $0x2  }
0xfc: {  	[tilespmem:s22+$0x50] =	vst v25  }
0xfd: {  	v25 =	vld.idx.msk [tilespmem:v26+s17+$0x0], $0xffff  }
0xfe: {  	v26 =	vor.u32 s23, v14;
	_ =	sdelay $0x2  }
0xff: {  	s31 =	sadd.s32 $0xC0, s22  }
0x100: {  	[tilespmem:s31+$0xFFFFFFA0] =	vst v25  }
0x101: {  	v25 =	vld.idx.msk [tilespmem:v26+s17+$0x0], $0xffff  }
0x102: {  	v26 =	vor.u32 s23, v15;
	_ =	sdelay $0x3  }
0x103: {  	[tilespmem:s31+$0xFFFFFFB0] =	vst v25  }
0x104: {  	v25 =	vld.idx.msk [tilespmem:v26+s17+$0x0], $0xffff  }
0x105: {  	v26 =	vor.u32 s23, v16;
	_ =	sdelay $0x3  }
0x106: {  	[tilespmem:s31+$0xFFFFFFC0] =	vst v25  }
0x107: {  	v25 =	vld.idx.msk [tilespmem:v26+s17+$0x0], $0xffff  }
0x108: {  	v26 =	vor.u32 s23, v17;
	_ =	sdelay $0x3  }
0x109: {  	[tilespmem:s31+$0xFFFFFFD0] =	vst v25  }
0x10a: {  	v25 =	vld.idx.msk [tilespmem:v26+s17+$0x0], $0xffff  }
0x10b: {  	v26 =	vor.u32 s23, v18;
	_ =	sdelay $0x3  }
0x10c: {  	[tilespmem:s31+$0xFFFFFFE0] =	vst v25  }
0x10d: {  	v25 =	vld.idx.msk [tilespmem:v26+s17+$0x0], $0xffff  }
0x10e: {  	v26 =	vor.u32 s23, v19;
	_ =	sdelay $0x3  }
0x10f: {  	[tilespmem:s31+$0xFFFFFFF0] =	vst v25  }
0x110: {  	v25 =	vld.idx.msk [tilespmem:v26+s17+$0x0], $0xffff  }
0x111: {  	v26 =	vor.u32 s23, v20;
	_ =	sdelay $0x3  }
0x112: {  	[tilespmem:s31+$0x0] =	vst v25  }
0x113: {  	v25 =	vld.idx.msk [tilespmem:v26+s17+$0x0], $0xffff  }
0x114: {  	v26 =	vor.u32 s23, v21;
	_ =	sdelay $0x3  }
0x115: {  	[tilespmem:s31+$0x10] =	vst v25  }
0x116: {  	v25 =	vld.idx.msk [tilespmem:v26+s17+$0x0], $0xffff  }
0x117: {  	v26 =	vor.u32 s23, v22;
	_ =	sdelay $0x1  }
0x118: {  	s21 =	sadd.s32 $0xC0, s21  }
0x119: {  	s21 =	sand.u32 $0xFC0, s21  }
0x11a: {  	[tilespmem:s21+$0x3700] =	vst v25  }
0x11b: {  	v25 =	vld.idx.msk [tilespmem:v26+s17+$0x0], $0xffff  }
0x11c: {  	v26 =	vor.u32 s23, v23;
	_ =	sdelay $0x3  }
0x11d: {  	[tilespmem:s31+$0x30] =	vst v25  }
0x11e: {  	v25 =	vld.idx.msk [tilespmem:v26+s17+$0x0], $0xffff  }
0x11f: {  	v26 =	vor.u32 s23, v24;
	_ =	sdelay $0x3  }
0x120: {  	[tilespmem:s31+$0x40] =	vst v25  }
0x121: {  	v25 =	vld.idx.msk [tilespmem:v26+s17+$0x0], $0xffff;
	_ =	sdelay $0x2  }
0x122: {  	s20 =	smul.u32 $0x18, s20;
	_ =	sdelay $0x1  }
.Ltmp3:
0x123: {  	s20 =	sadd.s32 s1, s20;
	[tilespmem:s31+$0x50] =	vst v25;
	(pc) =	sbr.rel @p0 .LBB2_2-.Ltmp3, $4  }
0x124: {  	[hbm4b:s20+s2] =	stream.linear.scatter [tilespmem:s18], [sflag:$0x1], $0xC00, $0x38;
	[tilespmem:$0x4280] =	vst v63  }
0x125: {  	_ =	swait.ge [sflag:s12], $0xC00  }
0x126: {  	[sflag:s12] =	ssyncset.done $0x0  }
0x127: {  	p1 =	por $0x0, $0x0;
	s20 =	simm.s32 $0x10;
	[sflag:s12] =	ssyncadd.s32 $0xFFFFF400  }
0x128: {  	s19 =	sadd.s32 $0x1, s19  }
0x129: {  	p0 =	sne.s32 s19, s10  }
.Ltmp4:
0x12a: {  	_ = 	snop;
	(pc) =	sbr.rel @p0 .LBB2_1-.Ltmp4, $1  }
0x12b: {  	_ =	sdelay $0x3  }
0x12c: {  	_ =	sfence.sel $0x180000  }
0x12d: {  	[bflag:$0x0] =	sbarrier.arrive $0xFFFF  }
0x12e: {  	p0 =	sne.s32 s6, $0x0;
	_ =	strace $0x90000047  }
0x12f: {  	s0 =	sadd.s32 @!p0 $0x100000, s0;
	[bflag:$0x2] =	sbarrier.arrive $0xFFFF  }
0x130: {  	[sflag:s0] =	ssyncadd.tile.s32 @!p0 $0x1;
	_ =	shalt  }
.Lfunc_end2:
_tile_overlayer_lowered:
.L_overlay_start_2:
0x131: {  	(tag) =	ssettag $0x2  }
0x132: {  	s0 =	rddreg [dreg:$0x0];
	s2 =	stileid.u32  }
0x133: {  	s1 =	rddreg [dreg:$0x1];
	p0 =	sne.s32 s2, $0x0  }
0x134: {  	s3 =	rddreg [dreg:$0x2];
	[bflag:$0x3] =	sbarrier.arrive $0xFFFF;
	s2 =	simm.s32 @!p0 $0x1C01  }
0x135: {  	[timem:s3], [sflag:s2] =	dma.local @!p0 [hbm:s0], s1  }
0x136: {  	s0 =	simm.s32 @!p0 $0x1  }
0x137: {  	_ =	swait.ge @!p0 [sflag:s0], s1  }
0x138: {  	s1 =	ssub.s32 @!p0 $0x0, s1;
	[sflag:s0] =	ssyncset.done @!p0 $0x0  }
0x139: {  	[sflag:s0] =	ssyncadd.s32 @!p0 s1  }
0x13a: {  	[bflag:$0x3] =	sbarrier.arrive $0xFFFF  }
0x13b: {  	_ =	shalt  }

// kernel: sparse-core-data-format-call.cloned.1.call-start
scs
called_computation_lowered:
.L_overlay_start_0:
0x0: {  	s2 =	sld [smem:$0x3FD9]  }
0x1: {  	s3 =	sld [smem:$0x3FFE];
	_ =	sdelay $0x1  }
0x2: {  	s1 =	srdreg.scid  }
0x3: {  	s0 =	sand.u32 $0x1, s1  }
0x4: {  	s18 =	sshll.u32 s0, $0xA;
	s2 =	sadd.s32 s3, s2  }
0x5: {  	s2 =	sadd.s32 s2, s18  }
0x6: {  	[smem:$0x3FC3] =	sst s2  }
0x7: {  	_ = 	snop  }
0x8: {  	s2 =	sld [smem:$0x3FD0];
	(tm) =	ssettm $0x1  }
0x9: {  	s19 =	sld [smem:$0x3FFB];
	_ =	sdelay $0x3  }
0xa: {  	_ =	strace s19  }
0xb: {  	s3 =	sld [smem:$0x3FFC];
	_ =	sdelay $0x3  }
0xc: {  	_ =	strace s3  }
0xd: {  	s3 =	sld [smem:$0x3FFD];
	_ =	sdelay $0x3  }
0xe: {  	_ =	strace s3  }
0xf: {  	_ =	strace $0x8FFFFFFF  }
0x10: {  	s20 =	sld [smem:$0x3FDB];
	_ =	sdelay $0x1  }
0x11: {  	s4 =	simm.s32 $_scs_section_size  }
0x12: {  	s5 =	simm.s32 $_size__tile_overlayer_lowered;
	s6 =	simm.s32 $_tile_overlayer_lowered  }
0x13: {  	s23 =	simm.s32 $0x1BFF;
	s22 =	sshll.u32 s6, $0x1;
	s3 =	sadd.s32 s4, s20  }
0x14: {  	s7 =	simm.s32 $0x0;
	s21 =	sshll.u32 s5, $0x1;
	s5 =	sadd.s32 s22, s3  }
0x15: {  	[timem:s7], [sflag:s23] =	dma.local [hbm:s5], s21  }
0x16: {  	_ =	swait.ge [sflag:s23], s21  }
0x17: {  	s4 =	ssub.s32 $0x0, s21;
	[sflag:s23] =	ssyncset.done $0x0  }
0x18: {  	[sflag:s23] =	ssyncadd.s32 s4;
	_ =	sdelay $0x1  }
0x19: {  	s24 =	simm.s32 $0x1B8B  }
0x1a: {  	_ =	swait.ge [sflag:s24], $0x1  }
0x1b: {  	[sflag:s24] =	ssyncset.done $0x0  }
0x1c: {  	s26 =	simm.s32 $0x1B8E;
	s25 =	sld [smem:$0x3FFE];
	[sflag:s24] =	ssyncadd.s32 $0xFFFFFFFF  }
0x1d: {  	s27 =	simm.s32 $execute0_lowered;
	[smem:$0x3FD2] =	sst s26  }
0x1e: {  	s5 =	sshll.u32 s27, $0x1;
	_ =	strace $0x80000049;
	[dreg:$0x1] =	wrdreg $0xFFFFFFFF  }
0x1f: {  	s28 =	simm.s32 $_size_execute0_lowered;
	s3 =	sadd.s32 s3, s5;
	[dreg:$0x0] =	wrdreg $0x0  }
0x20: {  	s5 =	sshll.u32 s28, $0x1;
	[dreg:$0x2] =	wrdreg s3  }
0x21: {  	[dreg:$0x3] =	wrdreg s5  }
0x22: {  	[dreg:$0x4] =	wrdreg $0xC0  }
0x23: {  	_ =	task [dreg:s7], $0x5FFFF  }
0x24: {  	[dreg:$0x1] =	wrdreg $0xFFFFFFFF  }
0x25: {  	[dreg:$0x0] =	wrdreg $0x60  }
0x26: {  	[dreg:$0x2] =	wrdreg s25  }
0x27: {  	[dreg:$0x3] =	wrdreg s2  }
0x28: {  	[dreg:$0x4] =	wrdreg $0x9  }
0x29: {  	_ =	task.clear_ibuf [dreg:s7], $0x5FFFF;
	_ =	strace $0x90000049  }
0x2a: {  	s29 =	simm.s32 $0x9;
	_ =	strace $0x8000004B  }
0x2b: {  	_ =	swait.ge [sflag:s29], $0x1  }
0x2c: {  	[sflag:s29] =	ssyncadd.s32 $0xFFFFFFFF  }
0x2d: {  	_ =	strace $0x9000004B  }
0x2e: {  	_ =	sfence  }
0x2f: {  	s30 =	sld [smem:$0x0];
	_ =	sdelay $0x2  }
0x30: {  	s31 =	sshll.u32 s1, $0xD;
	s1 =	sshrl.u32 s1, $0x2  }
0x31: {  	s3 =	sand.u32 $0x4000, s31;
	s1 =	sadd.s32 s1, s30  }
0x32: {  	s0 =	sor.u32 s3, s0;
	s1 =	sshll.u32 s1, $0x11  }
0x33: {  	s0 =	sor.u32 s1, s0  }
0x34: {  	s0 =	sadd.s32 $0x8F2B, s0  }
0x35: {  	[sflag:s0] =	ssyncadd.remote.s32 $0x1  }
0x36: {  	_ =	sfence.sel $0xFFFF  }
0x37: {  	[dreg:$0x0] =	wrdreg $0xFFFFFFFF;
	(pc) =	sbr.abs _section_cstart, $3  }
0x38: {  	[dreg:$0x1] =	wrdreg $0xFFFFFFFF  }
0x39: {  	_ =	task.clear_ibuf [dreg:s7], $0x2FFFF;
	_ =	strace $0x9FFFFFFF  }
0x3a: {  	(tm) =	ssettm $0x7FFFFFFF  }
0x3b: {  	_ =	shalt  }
tec
execute0_lowered:
.L_overlay_start_1:
0x0: {  	(tag) =	ssettag $0x1  }
0x1: {  	s0 =	srdreg.scid  }
0x2: {  	s1 =	sshll.u32 s0, $0x4  }
0x3: {  	s6 =	rddreg [dreg:$0x0];
	s0 =	stileid.u32;
	s1 =	sand.u32 $0x10, s1  }
0x4: {  	s3 =	rddreg [dreg:$0x1];
	s1 =	sor.u32 s0, s1  }
0x5: {  	s5 =	simm.s32 $0x1;
	s31 =	simm.s32 $0x2;
	s2 =	sshll.u32 s1, $0x7  }
0x6: {  	s14 =	simm.s32 $0x0;
	s8 =	simm.s32 $0x80000;
	s4 =	ssub.s32 $0x10000, s2  }
0x7: {  	s9 =	simm.s32 $0x0;
	s15 =	simm.s32 $0x0;
	s30 =	sand.u32 $0xF80, s4  }
0x8: {  	s16 =	simm.s32 $0x0;
	s11 =	simm.s32 $0x0;
	p0 =	sne.s32 s30, $0x0  }
.Ltmp0:
0x9: {  	s7 =	sshrl.u32 s4, $0xC;
	s5 =	simm.s32 @!p0 $0x0;
	(pc) =	sbr.rel .LBB1_1-.Ltmp0, $4  }
0xa: {  	s12 =	simm.s32 $0x0;
	s1 =	rddreg [dreg:$0x2];
	s5 =	sadd.s32 s5, s7  }
0xb: {  	_ =	strace $0x8000004A;
	s4 =	simm.s32 $0x1;
	s5 =	smul.u32 $0x3, s5  }
0xc: {  	s13 =	simm.s32 $0x0;
	s6 =	sadd.s32 $0xA00, s6;
	[sflag:s4] =	ssyncpa.u1 $0x0  }
0xd: {  	s10 =	smov.u32 s2;
	[sflag:s31] =	ssyncpa.u1 $0x0;
	s7 =	sadd.s32 $0x1, s5  }
.LBB1_4:
0xe: {  	_ =	sdelay $0x3  }
0xf: {  	[tilespmem:v0+s19+$0xFFFFFFD0 ss:$0x1] =	vst.idx.msk $0xffff, v6  }
0x10: {  	v56 =	vld.idx.msk [tilespmem:v1+s18+$0x0 ss:$0x1], $0xffff;
	[tilespmem:v0+s19+$0xFFFFFFE0 ss:$0x1] =	vst.idx.msk $0xffff, v4  }
0x11: {  	v57 =	vld.idx.msk [tilespmem:v1+s18+$0xFFFFFF90 ss:$0x1], $0xffff;
	[tilespmem:v0+s19+$0xFFFFFFF0 ss:$0x1] =	vst.idx.msk $0xffff, v2  }
0x12: {  	v58 =	vld.idx.msk [tilespmem:v1+s18+$0xFFFFFFA0 ss:$0x1], $0xffff;
	[tilespmem:v0+s19+$0x0 ss:$0x1] =	vst.idx.msk $0xffff, v3  }
0x13: {  	v59 =	vld.idx.msk [tilespmem:v1+s18+$0xFFFFFFB0 ss:$0x1], $0xffff;
	[tilespmem:v0+s19+$0x10 ss:$0x1] =	vst.idx.msk $0xffff, v5  }
0x14: {  	v60 =	vld.idx.msk [tilespmem:v1+s18+$0xFFFFFFC0 ss:$0x1], $0xffff;
	[tilespmem:v0+s19+$0x20 ss:$0x1] =	vst.idx.msk $0xffff, v7  }
0x15: {  	v61 =	vld.idx.msk [tilespmem:v1+s18+$0xFFFFFFD0 ss:$0x1], $0xffff;
	[tilespmem:v0+s18+$0x30 ss:$0x1] =	vst.idx.msk $0xffff, v56  }
0x16: {  	v62 =	vld.idx.msk [tilespmem:v1+s18+$0xFFFFFFE0 ss:$0x1], $0xffff;
	s27 =	sand.u32 $0x78, s14;
	s20 =	sshll.u32 s16, $0x10;
	s28 =	sshll.u32 s16, $0x7;
	[tilespmem:v0+s18+$0xFFFFFFC0 ss:$0x1] =	vst.idx.msk $0xffff, v57  }
0x17: {  	v63 =	vld.idx.msk [tilespmem:v1+s18+$0xFFFFFFF0 ss:$0x1], $0xffff;
	s21 =	sshll.u32 s14, $0x3;
	s15 =	sshll.u32 s15, $0x13;
	s20 =	sand.u32 $0x380000, s20;
	[tilespmem:v0+s18+$0xFFFFFFD0 ss:$0x1] =	vst.idx.msk $0xffff, v58  }
0x18: {  	s31 =	sand.u32 $0x7, s14;
	s16 =	sand.u32 $0x380, s28;
	s29 =	sadd.s32 s20, s21;
	[tilespmem:v0+s18+$0xFFFFFFE0 ss:$0x1] =	vst.idx.msk $0xffff, v59  }
0x19: {  	s30 =	sand.u32 $0xFC00, s21;
	s16 =	sor.u32 s16, s27;
	s19 =	sshrl.u32 s29, $0x3;
	[tilespmem:v0+s18+$0xFFFFFFF0 ss:$0x1] =	vst.idx.msk $0xffff, v60  }
0x1a: {  	s15 =	sadd.s32 s3, s15;
	s16 =	sor.u32 s30, s16;
	s19 =	sand.u32 $0x7E000, s19;
	[tilespmem:v0+s18+$0x0 ss:$0x1] =	vst.idx.msk $0xffff, v61  }
0x1b: {  	s14 =	sshll.u32 s31, $0x12;
	s16 =	sshrl.u32 s16, $0x3;
	[tilespmem:v0+s18+$0x10 ss:$0x1] =	vst.idx.msk $0xffff, v62;
	s15 =	sadd.s32 s19, s15  }
0x1c: {  	s14 =	sor.u32 $0x400, s14;
	[tilespmem:v0+s18+$0x20 ss:$0x1] =	vst.idx.msk $0xffff, v63;
	s15 =	sadd.s32 s16, s15  }
0x1d: {  	[hbm4b:s15+s14] =	stream.strided.scatter [tilespmem:s17], [sflag:$0x2], $0x2000, s8, s14, $0x38;
	[tilespmem:$0x8000] =	vst v63  }
.LBB1_5:
0x1e: {  	s17 =	sadd.s32 $0x1000, s10  }
0x1f: {  	s14 =	simm.s32 $0x1;
	p1 =	sgt.s32 s17, $0xFFFF  }
0x20: {  	s14 =	simm.s32 @!p1 $0x0  }
0x21: {  	s18 =	sadd.s32 s14, s11  }
0x22: {  	s20 =	smov.u32 s12;
	s14 =	sadd.s32 $0x40, s12;
	p2 =	sgt.s32 s18, $0x2  }
0x23: {  	s20 =	smov.u32 @p2 s14  }
0x24: {  	p0 =	slt.u32 s13, $0x2;
	s17 =	smov.u32 @p1 s2;
	p1 =	sgt.s32 s20, $0x3F  }
0x25: {  	s19 =	simm.s32 @!p0 $0x2;
	s20 =	simm.s32 @p1 $0x0;
	p1 =	sne.s32 s13, s7  }
.Ltmp1:
0x26: {  	_ =	swait.ge @!p0 [sflag:s19], $0x2000;
	(pc) =	sbr.rel @!p1 .LBB1_6-.Ltmp1, $4  }
0x27: {  	s15 =	smov.u32 s11;
	[sflag:s19] =	ssyncset.done @!p0 $0x0  }
0x28: {  	s16 =	smov.u32 s12;
	s9 =	sadd.s32 $0x2000, s9;
	[sflag:s19] =	ssyncadd.s32 @!p0 $0xFFFFE000  }
0x29: {  	s18 =	simm.s32 @p2 $0x0;
	s14 =	smov.u32 s10;
	s10 =	smov.u32 s17  }
0x2a: {  	s11 =	smov.u32 s18;
	s13 =	sadd.s32 $0x1, s13;
	s12 =	smov.u32 s20  }
.LBB1_1:
0x2b: {  	p0 =	sge.u32 s13, s5  }
0x2c: {  	s17 =	sshll.u32 @!p0 s11, $0x7  }
0x2d: {  	s18 =	sand.u32 @!p0 $0x78, s10;
	s19 =	sshll.u32 @!p0 s10, $0x2;
	s17 =	sand.u32 @!p0 $0x180, s17  }
0x2e: {  	s31 =	sadd.s32 $0xFFFFFFFF, s13;
	s19 =	sand.u32 @!p0 $0xFE00, s19;
	s17 =	sor.u32 @!p0 s17, s18  }
0x2f: {  	s18 =	sshll.u32 @!p0 s12, $0xF;
	s17 =	sor.u32 @!p0 s19, s17;
	s19 =	sshrl.u32 @!p0 s10, $0x1  }
0x30: {  	s20 =	sxor.u32 @!p0 $0xFFFFFFFF, s13;
	s18 =	sadd.s32 @!p0 s6, s18;
	s19 =	sand.u32 @!p0 $0x6000, s19  }
0x31: {  	s20 =	sshll.u32 @!p0 s20, $0xD;
	s18 =	sadd.s32 @!p0 s19, s18;
	s19 =	sand.u32 @!p0 $0x7, s10  }
0x32: {  	s20 =	sand.u32 @!p0 $0x2000, s20;
	s17 =	sshrl.u32 @!p0 s17, $0x3;
	s19 =	sshll.u32 @!p0 s19, $0x12  }
0x33: {  	s17 =	sadd.s32 @!p0 s17, s18;
	s18 =	sor.u32 @!p0 $0x80, s19;
	s19 =	simm.s32 @!p0 $0x40000  }
0x34: {  	[tilespmem:s20], [sflag:$0x1] =	stream.strided.gather @!p0 [hbm4b:s17+s18], $0x2000, s19, s18, $0x38;
	[tilespmem:$0x8000] =	vst v63  }
0x35: {  	p0 =	sge.u32 s31, s5  }
.Ltmp2:
0x36: {  	_ = 	snop;
	(pc) =	sbr.rel @p0 .LBB1_5-.Ltmp2, $1  }
0x37: {  	_ =	sdelay $0x3  }
0x38: {  	s17 =	sand.u32 $0x2000, s9  }
0x39: {  	s18 =	sor.u32 $0x70, s17  }
0x3a: {  	v1 =	vmov s18;
	_ =	sdelay $0x1  }
0x3b: {  	_ =	swait.ge [sflag:s4], $0x2000  }
0x3c: {  	[sflag:s4] =	ssyncset.done $0x0  }
0x3d: {  	s19 =	simm.s32 $0x0;
	[sflag:s4] =	ssyncadd.s32 $0xFFFFE000  }
0x3e: {  	s17 =	sor.u32 $0x4040, s17;
	v7 =	vld.idx.msk [tilespmem:v1+s19+$0x0 ss:$0x1], $0xffff  }
0x3f: {  	v0 =	vmov s17;
	v8 =	vld.idx.msk [tilespmem:v1+s19+$0xFFFFFF90 ss:$0x1], $0xffff  }
0x40: {  	v6 =	vld.idx.msk [tilespmem:v1+s19+$0xFFFFFFA0 ss:$0x1], $0xffff  }
0x41: {  	v4 =	vld.idx.msk [tilespmem:v1+s19+$0xFFFFFFB0 ss:$0x1], $0xffff  }
0x42: {  	v2 =	vld.idx.msk [tilespmem:v1+s19+$0xFFFFFFC0 ss:$0x1], $0xffff  }
0x43: {  	s31 =	sshll.u32 s13, $0xD;
	v3 =	vld.idx.msk [tilespmem:v1+s19+$0xFFFFFFD0 ss:$0x1], $0xffff  }
0x44: {  	s17 =	sand.u32 $0x2000, s31;
	v5 =	vld.idx.msk [tilespmem:v1+s19+$0xFFFFFFE0 ss:$0x1], $0xffff;
	[tilespmem:v0+s19+$0x30 ss:$0x1] =	vst.idx.msk $0xffff, v7  }
0x45: {  	s20 =	simm.s32 $0x400;
	s18 =	simm.s32 $0x80;
	s17 =	sor.u32 $0x4000, s17;
	[tilespmem:v0+s19+$0xFFFFFFC0 ss:$0x1] =	vst.idx.msk $0xffff, v8;
	v7 =	vld.idx.msk [tilespmem:v1+s19+$0xFFFFFFF0 ss:$0x1], $0xffff  }
.LBB1_3:
0x46: {  	p0 =	sne.s32 s20, $0x7E00;
	v8 =	vld.idx.msk [tilespmem:v1+s18+$0x0 ss:$0x1], $0xffff;
	[tilespmem:v0+s19+$0xFFFFFFD0 ss:$0x1] =	vst.idx.msk $0xffff, v6  }
0x47: {  	v9 =	vld.idx.msk [tilespmem:v1+s18+$0xFFFFFF90 ss:$0x1], $0xffff;
	[tilespmem:v0+s19+$0xFFFFFFE0 ss:$0x1] =	vst.idx.msk $0xffff, v4  }
0x48: {  	v6 =	vld.idx.msk [tilespmem:v1+s18+$0xFFFFFFA0 ss:$0x1], $0xffff;
	[tilespmem:v0+s19+$0xFFFFFFF0 ss:$0x1] =	vst.idx.msk $0xffff, v2  }
.Ltmp3:
0x49: {  	v4 =	vld.idx.msk [tilespmem:v1+s18+$0xFFFFFFB0 ss:$0x1], $0xffff;
	[tilespmem:v0+s19+$0x0 ss:$0x1] =	vst.idx.msk $0xffff, v3;
	(pc) =	sbr.rel @p0 .LBB1_3-.Ltmp3, $4  }
0x4a: {  	v2 =	vld.idx.msk [tilespmem:v1+s18+$0xFFFFFFC0 ss:$0x1], $0xffff;
	[tilespmem:v0+s19+$0x10 ss:$0x1] =	vst.idx.msk $0xffff, v5  }
0x4b: {  	v3 =	vld.idx.msk [tilespmem:v1+s18+$0xFFFFFFD0 ss:$0x1], $0xffff;
	[tilespmem:v0+s19+$0x20 ss:$0x1] =	vst.idx.msk $0xffff, v7;
	s19 =	smov.u32 s18  }
0x4c: {  	v5 =	vld.idx.msk [tilespmem:v1+s19+$0xFFFFFFE0 ss:$0x1], $0xffff;
	[tilespmem:v0+s19+$0x30 ss:$0x1] =	vst.idx.msk $0xffff, v8  }
0x4d: {  	s18 =	sshra.s32 s20, $0x2;
	s20 =	sadd.s32 $0x200, s20;
	[tilespmem:v0+s19+$0xFFFFFFC0 ss:$0x1] =	vst.idx.msk $0xffff, v9;
	v7 =	vld.idx.msk [tilespmem:v1+s19+$0xFFFFFFF0 ss:$0x1], $0xffff  }
.Ltmp4:
0x4e: {  	_ = 	snop;
	(pc) =	sbr.rel .LBB1_4-.Ltmp4, $1  }
0x4f: {  	_ =	sdelay $0x3  }
.LBB1_6:
0x50: {  	_ =	sfence.sel $0x180000  }
0x51: {  	s2 =	simm.s32 $0x1;
	[bflag:$0x0] =	sbarrier.arrive $0xFFFF  }
0x52: {  	s31 =	simm.s32 $0x2;
	[sflag:s2] =	ssyncpa.u1 $0x1  }
0x53: {  	[sflag:s31] =	ssyncpa.u1 $0x1  }
0x54: {  	p0 =	sne.s32 s0, $0x0;
	_ =	strace $0x9000004A  }
0x55: {  	s0 =	sadd.s32 @!p0 $0x100000, s1;
	[bflag:$0x2] =	sbarrier.arrive $0xFFFF  }
0x56: {  	[sflag:s0] =	ssyncadd.tile.s32 @!p0 $0x1;
	_ =	shalt  }
.Lfunc_end1:
_tile_overlayer_lowered:
.L_overlay_start_2:
0x57: {  	(tag) =	ssettag $0x2  }
0x58: {  	s0 =	rddreg [dreg:$0x0];
	s2 =	stileid.u32  }
0x59: {  	s1 =	rddreg [dreg:$0x1];
	p0 =	sne.s32 s2, $0x0  }
0x5a: {  	s3 =	rddreg [dreg:$0x2];
	[bflag:$0x3] =	sbarrier.arrive $0xFFFF;
	s2 =	simm.s32 @!p0 $0x1C01  }
0x5b: {  	[timem:s3], [sflag:s2] =	dma.local @!p0 [hbm:s0], s1  }
0x5c: {  	s0 =	simm.s32 @!p0 $0x1  }
0x5d: {  	_ =	swait.ge @!p0 [sflag:s0], s1  }
0x5e: {  	s1 =	ssub.s32 @!p0 $0x0, s1;
	[sflag:s0] =	ssyncset.done @!p0 $0x0  }
0x5f: {  	[sflag:s0] =	ssyncadd.s32 @!p0 s1  }
0x60: {  	[bflag:$0x3] =	sbarrier.arrive $0xFFFF  }
0x61: {  	_ =	shalt  }

</sc_bundles>
